<compile_context>
chip_gen: v7x
topology: tpu7x:2x2x1
jax: 0.10.2.dev20260603
libtpu: 0.0.44.dev20260713+nightly
codegen_flags: <defaults>
</compile_context>

<pallas_src>
import functools

import jax
import jax.numpy as jnp
from jax import lax
from jax.experimental import pallas as pl
from jax.experimental.pallas import tpu as pltpu
from jax.experimental.pallas import tpu_sc as plsc

_N = 10000
_E = 320000
_EMB = 128
_NP = 10240
_DUMMY = _NP - 1
_NC = 2
_NS = 16
_NW = _NC * _NS
_TB = 158
_HR = _NP // 2
_AR = 5376
_LDUMMY = _AR - 1
_DEG_B = 79
_DEGW = 16
_MBLK = 1024
_MGRID = _NP // _MBLK
_RB = _MBLK // 128

def _emb_deg_body(emb_hbm, tipo_hbm, dstd_hbm, xg_hbm, degp_hbm,
                  idxv, rows, dstv, hist, sem):
    c = lax.axis_index("c")
    s = lax.axis_index("s")
    w = s * _NC + c

    @pl.loop(0, _NP // 16)
    def _zh(i):
        hist[pl.ds(i * 16, 16)] = jnp.zeros((16,), jnp.float32)

    pltpu.sync_copy(tipo_hbm.at[w], idxv)
    pltpu.sync_copy(dstd_hbm.at[w], dstv)

    @pl.loop(0, 3)
    def _gather(k):
        pltpu.async_copy(emb_hbm.at[idxv.at[k]], rows, sem).wait()
        pltpu.sync_copy(rows, xg_hbm.at[pl.ds(w * 384 + k * 128, 128)])

    @pl.loop(0, _E // _NW // 16)
    def _dh(j):
        idx = dstv[pl.ds(j * 16, 16)]
        plsc.addupdate_scatter(hist, [idx], jnp.ones((16,), jnp.float32))

    pltpu.sync_copy(hist, degp_hbm.at[w])


def _prop_body(zflat_hbm, srcv_hbm, dstv_hbm, acc_hbm,
               srcv, dstv, buf0, buf1, acc_sh, sem0, sem1):
    c = lax.axis_index("c")
    s = lax.axis_index("s")

    pltpu.sync_copy(srcv_hbm.at[c, s], srcv)

    @pl.loop(0, 2)
    def _pass(r):
        @pl.loop(0, 128)
        def _zb(i):
            for j in range(8):
                buf0[i, pl.ds(j * 16, 16)] = jnp.zeros((16,), jnp.float32)

        zb = s * 336
        pltpu.sync_copy(buf0, acc_sh.at[pl.ds(zb, 128)])
        pltpu.sync_copy(buf0, acc_sh.at[pl.ds(zb + 128, 128)])
        pltpu.sync_copy(buf0.at[pl.ds(0, 80)], acc_sh.at[pl.ds(zb + 256, 80)])
        pltpu.sync_copy(dstv_hbm.at[r, s], dstv)
        plsc.subcore_barrier()

        pltpu.async_copy(zflat_hbm.at[srcv.at[0]], buf0, sem0)

        @pl.loop(0, _TB // 2)
        def _main(h):
            j0 = 2 * h
            pltpu.async_copy(zflat_hbm.at[srcv.at[j0 + 1]], buf1, sem1)
            pltpu.make_async_copy(zflat_hbm.at[srcv.at[j0]], buf0, sem0).wait()
            pltpu.sync_copy(buf0, acc_sh.at[dstv.at[j0]], add=True)

            @pl.when(j0 + 2 < _TB)
            def _():
                pltpu.async_copy(zflat_hbm.at[srcv.at[j0 + 2]], buf0, sem0)

            pltpu.make_async_copy(zflat_hbm.at[srcv.at[j0 + 1]], buf1, sem1).wait()
            pltpu.sync_copy(buf1, acc_sh.at[dstv.at[j0 + 1]], add=True)

        plsc.subcore_barrier()
        pltpu.sync_copy(acc_sh.at[pl.ds(s * 320, 320)],
                        acc_hbm.at[c, pl.ds(r * _HR + s * 320, 320)])
        plsc.subcore_barrier()


@functools.cache
def _sc_kernels():
    mesh = plsc.VectorSubcoreMesh(core_axis_name="c", subcore_axis_name="s",
                                  num_cores=_NC, num_subcores=_NS)
    emb_deg = pl.kernel(
        _emb_deg_body,
        compiler_params=pltpu.CompilerParams(needs_layout_passes=False),
        out_type=[
            jax.ShapeDtypeStruct((_NW * 384, _EMB), jnp.float32),
            jax.ShapeDtypeStruct((_NW, _NP), jnp.float32),
        ],
        mesh=mesh,
        scratch_types=[
            pltpu.VMEM((3, 128), jnp.int32),
            pltpu.VMEM((128, _EMB), jnp.float32),
            pltpu.VMEM((_E // _NW,), jnp.int32),
            pltpu.VMEM((_NP,), jnp.float32),
            pltpu.SemaphoreType.DMA,
        ],
    )
    prop = pl.kernel(
        _prop_body,
        out_type=jax.ShapeDtypeStruct((_NC, _NP, 128), jnp.float32),
        mesh=mesh,
        scratch_types=[
            pltpu.VMEM((_TB, 128), jnp.int32),
            pltpu.VMEM((_TB, 128), jnp.int32),
            pltpu.VMEM((128, 128), jnp.float32),
            pltpu.VMEM((128, 128), jnp.float32),
            pltpu.VMEM_SHARED((_AR, 128), jnp.float32),
            pltpu.SemaphoreType.DMA,
            pltpu.SemaphoreType.DMA,
        ],
    )
    return emb_deg, prop


def _scale_body(degp_ref, mask_ref, dinv_ref, rs1_ref):
    deg = jnp.sum(degp_ref[...], axis=0) + 1.0
    dinv = lax.rsqrt(deg)
    dinv_ref[...] = dinv
    rs1_ref[...] = dinv * mask_ref[...]


_scale = pl.pallas_call(
    _scale_body,
    out_shape=[jax.ShapeDtypeStruct((80, 128), jnp.float32),
               jax.ShapeDtypeStruct((80, 128), jnp.float32)],
)


def _rowscale(y, rs):
    w = y.shape[-1]
    return (y.reshape(_RB, 128, w) * rs[:, :, None]).reshape(_MBLK, w)


def _mm1_body(x_ref, w_ref, rs_ref, z_ref):
    y = jnp.dot(x_ref[...], w_ref[...], preferred_element_type=jnp.float32,
                precision=lax.Precision.HIGHEST)
    z_ref[...] = _rowscale(y, rs_ref[...])


_mm1 = pl.pallas_call(
    _mm1_body,
    grid=(_MGRID, 2),
    in_specs=[
        pl.BlockSpec((_MBLK, _EMB), lambda i, j: (i, 0)),
        pl.BlockSpec((_EMB, 128), lambda i, j: (0, j)),
        pl.BlockSpec((_RB, 128), lambda i, j: (i, 0)),
    ],
    out_specs=pl.BlockSpec((None, _MBLK, 128), lambda i, j: (j, i, 0)),
    out_shape=jax.ShapeDtypeStruct((_NC, _NP, 128), jnp.float32),
)


def _mm2_body(acc_ref, z_ref, dinv_ref, w_ref, out_ref):
    k = pl.program_id(2)
    dinv = dinv_ref[...]
    h = _rowscale(acc_ref[...] + z_ref[...], dinv)
    h = jnp.maximum(h, 0.0)
    y = jnp.dot(h, w_ref[...], preferred_element_type=jnp.float32,
                precision=lax.Precision.HIGHEST)

    @pl.when(k == 0)
    def _():
        out_ref[...] = y

    @pl.when(k == 1)
    def _():
        out_ref[...] = _rowscale(out_ref[...] + y, dinv)


_mm2 = pl.pallas_call(
    _mm2_body,
    grid=(_MGRID, 2, 2),
    in_specs=[
        pl.BlockSpec((None, _MBLK, 128), lambda i, j, k: (k, i, 0)),
        pl.BlockSpec((None, _MBLK, 128), lambda i, j, k: (k, i, 0)),
        pl.BlockSpec((_RB, 128), lambda i, j, k: (i, 0)),
        pl.BlockSpec((128, 128), lambda i, j, k: (k, j)),
    ],
    out_specs=pl.BlockSpec((None, _MBLK, 128), lambda i, j, k: (j, i, 0)),
    out_shape=jax.ShapeDtypeStruct((_NC, _NP, 128), jnp.float32),
)


def _fin_body(acc_ref, z_ref, dinv_ref, out_ref):
    out_ref[...] = _rowscale(acc_ref[...] + z_ref[...], dinv_ref[...])


_fin = pl.pallas_call(
    _fin_body,
    grid=(_MGRID, 2),
    in_specs=[
        pl.BlockSpec((None, _MBLK, 128), lambda i, j: (j, i, 0)),
        pl.BlockSpec((None, _MBLK, 128), lambda i, j: (j, i, 0)),
        pl.BlockSpec((_RB, 128), lambda i, j: (i, 0)),
    ],
    out_specs=pl.BlockSpec((_MBLK, 128), lambda i, j: (i, j)),
    out_shape=jax.ShapeDtypeStruct((_NP, 256), jnp.float32),
)


def kernel(edge_index, tipo_ids, mask_embed, emb_table, W1, W2):
    src = edge_index[0]
    dst = edge_index[1]

    perw = _E // _NS
    pad = _TB * 128 - perw
    srcp = jnp.pad(src.reshape(_NS, perw), ((0, 0), (0, pad))) \
              .reshape(_NS, _TB, 128)
    srcv_all = jnp.stack([srcp, srcp + _NP])
    dstp = jnp.pad(dst.reshape(_NS, perw), ((0, 0), (0, pad)),
                   constant_values=_DUMMY).reshape(_NS, _TB, 128)
    dstp_both = jnp.stack(
        [jnp.where((dstp >= r * _HR) & (dstp < (r + 1) * _HR),
                   dstp - r * _HR, _LDUMMY) for r in range(2)])
    tipo3 = jnp.pad(tipo_ids, (0, _NW * 384 - _N)).reshape(_NW, 3, 128)
    mask2d = jnp.pad(mask_embed, (0, _NP - _N)).reshape(80, 128)

    _emb_deg, _prop = _sc_kernels()
    dstd = dst.reshape(_NW, _E // _NW)
    xg, degp = _emb_deg(emb_table, tipo3, dstd)
    xg = xg[: _NP]
    dinv2d, rs1 = _scale(degp.reshape(_NW, 80, 128), mask2d)
    z1 = _mm1(xg, W1, rs1)
    acc1 = _prop(z1.reshape(_NC * _NP, 128), srcv_all, dstp_both)
    z2 = _mm2(acc1, z1, dinv2d, W2)
    acc2 = _prop(z2.reshape(_NC * _NP, 128), srcv_all, dstp_both)
    out = _fin(acc2, z2, dinv2d)
    return out[:_N]

# --- scband reference (transcript-rebuilt; emitter-appended) ---
"""Pipeline reference for scband-gcnencoder-31310311588249 (READ-ONLY COPY).

The authoritative reference and input builder live on the scoring server;
editing this copy changes nothing except your own understanding.
"""

import jax, jax.numpy as jnp
import numpy as np

N = 10000
E = 320000
NUM_TYPES = 512
EMB = 128
HID = 256
OUT = 256


def setup_inputs(seed: int = 0) -> dict:
    key = jax.random.key(seed)
    k1, k2, k3, k4, k5, k6 = jax.random.split(key, 6)
    edge_index = jax.random.randint(k1, (2, E), 0, N, dtype=jnp.int32)
    tipo_ids = jax.random.randint(k2, (N,), 0, NUM_TYPES, dtype=jnp.int32)
    mask_embed = jax.random.uniform(k3, (N,), dtype=jnp.float32)
    emb_table = jax.random.normal(k4, (NUM_TYPES, EMB), dtype=jnp.float32) * 0.02
    W1 = jax.random.normal(k5, (EMB, HID), dtype=jnp.float32) * (1.0 / np.sqrt(EMB))
    W2 = jax.random.normal(k6, (HID, OUT), dtype=jnp.float32) * (1.0 / np.sqrt(HID))
    return {"edge_index": edge_index, "tipo_ids": tipo_ids, "mask_embed": mask_embed,
            "emb_table": emb_table, "W1": W1, "W2": W2}


def _gcn_conv(x, W, src, dst, n):
    # PyG GCNConv (bias=False): linear transform, add self-loops, symmetric norm, scatter-add
    x = x @ W
    loop = jnp.arange(n, dtype=src.dtype)
    src2 = jnp.concatenate([src, loop])
    dst2 = jnp.concatenate([dst, loop])
    deg = jax.ops.segment_sum(jnp.ones(src2.shape[0], dtype=x.dtype), dst2, num_segments=n)
    dinv = jnp.where(deg > 0, 1.0 / jnp.sqrt(deg), 0.0)
    norm = dinv[src2] * dinv[dst2]
    msgs = jnp.take(x, src2, axis=0) * norm[:, None]
    return jax.ops.segment_sum(msgs, dst2, num_segments=n)


def reference(edge_index, tipo_ids, mask_embed, emb_table, W1, W2):
    src = edge_index[0]
    dst = edge_index[1]
    x = jnp.take(emb_table, tipo_ids, axis=0)          # embedding lookup
    x = x * mask_embed[:, None]                        # mask_embed.unsqueeze(1)
    h = jax.nn.relu(_gcn_conv(x, W1, src, dst, N))     # conv1 + relu
    out = _gcn_conv(h, W2, src, dst, N)                # conv2
    return out

if __name__ == "__main__":
    import jax
    _d = setup_inputs()
    print(jax.jit(kernel)(*tuple(_d.values())))

</pallas_src>

<mosaic_0001>
#map = affine_map<(d0, d1) -> (0, 0)>
#map1 = affine_map<(d0, d1) -> (0, 0, 0, 0)>
#map2 = affine_map<(d0, d1) -> (0, 0, 0)>
module attributes {stable_mosaic.version = 14 : i64} {
  func.func @_prop_body(%arg0: i32, %arg1: i32, %arg2: memref<20480x128xf32, #tpu.memory_space<hbm>>, %arg3: memref<2x16x158x128xi32, #tpu.memory_space<hbm>>, %arg4: memref<2x16x158x128xi32, #tpu.memory_space<hbm>>, %arg5: memref<2x10240x128xf32, #tpu.memory_space<hbm>>, %arg6: memref<158x128xi32, #tpu.memory_space<vmem>>, %arg7: memref<158x128xi32, #tpu.memory_space<vmem>>, %arg8: memref<128x128xf32, #tpu.memory_space<vmem>>, %arg9: memref<128x128xf32, #tpu.memory_space<vmem>>, %arg10: memref<5376x128xf32, #tpu.memory_space<vmem_shared>>, %arg11: memref<!tpu.dma_semaphore, #tpu.memory_space<semaphore_mem>>, %arg12: memref<!tpu.dma_semaphore, #tpu.memory_space<semaphore_mem>>) attributes {dimension_semantics = [#tpu.dimension_semantics<core_parallel>, #tpu.dimension_semantics<subcore_parallel>], iteration_bounds = array<i64: 2, 16>, scalar_prefetch = 0 : i64, scratch_operands = 7 : i64, tpu.core_type = #tpu.core_type<sc_vector_subcore>, window_params = [{transform_indices = #map}, {transform_indices = #map1}, {transform_indices = #map1}, {transform_indices = #map2}]} {
    "tpu.region"() ({
      %run_scoped3A = tpu.sem_alloc : memref<!tpu.dma_semaphore, #tpu.memory_space<semaphore_mem>>
      %dma_start3A = arith.constant 0 : i32
      %dma_start3A_4 = arith.constant 0 : i32
      %dma_start3A_5 = tpu.memref_slice %arg3[%arg0, %arg1, %dma_start3A, %dma_start3A_4] : memref<2x16x158x128xi32, #tpu.memory_space<hbm>> -> memref<1x1x158x128xi32, #tpu.memory_space<hbm>>
      %dma_start3A_6 = tpu.memref_squeeze %dma_start3A_5 : memref<1x1x158x128xi32, #tpu.memory_space<hbm>> -> memref<158x128xi32, #tpu.memory_space<hbm>>
      %dma_start3A_7 = arith.constant 0 : i32
      %dma_start3A_8 = arith.constant 0 : i32
      %dma_start3A_9 = tpu.memref_slice %arg3[%arg0, %arg1, %dma_start3A_7, %dma_start3A_8] : memref<2x16x158x128xi32, #tpu.memory_space<hbm>> -> memref<1x1x158x128xi32, #tpu.memory_space<hbm>>
      %dma_start3A_10 = tpu.memref_squeeze %dma_start3A_9 : memref<1x1x158x128xi32, #tpu.memory_space<hbm>> -> memref<158x128xi32, #tpu.memory_space<hbm>>
      tpu.enqueue_dma source(%dma_start3A_10 : memref<158x128xi32, #tpu.memory_space<hbm>>) target(%arg6 : memref<158x128xi32, #tpu.memory_space<vmem>>) target_semaphore(%run_scoped3A : memref<!tpu.dma_semaphore, #tpu.memory_space<semaphore_mem>>)
      %dma_wait3A = arith.constant 0 : i32
      %dma_wait3A_11 = arith.constant 0 : i32
      %dma_wait3A_12 = tpu.memref_slice %arg3[%arg0, %arg1, %dma_wait3A, %dma_wait3A_11] : memref<2x16x158x128xi32, #tpu.memory_space<hbm>> -> memref<1x1x158x128xi32, #tpu.memory_space<hbm>>
      %dma_wait3A_13 = tpu.memref_squeeze %dma_wait3A_12 : memref<1x1x158x128xi32, #tpu.memory_space<hbm>> -> memref<158x128xi32, #tpu.memory_space<hbm>>
      %dma_wait3A_14 = arith.constant 0 : i32
      %dma_wait3A_15 = arith.constant 0 : i32
      %dma_wait3A_16 = tpu.memref_slice %arg3[%arg0, %arg1, %dma_wait3A_14, %dma_wait3A_15] : memref<2x16x158x128xi32, #tpu.memory_space<hbm>> -> memref<1x1x158x128xi32, #tpu.memory_space<hbm>>
      %dma_wait3A_17 = tpu.memref_squeeze %dma_wait3A_16 : memref<1x1x158x128xi32, #tpu.memory_space<hbm>> -> memref<158x128xi32, #tpu.memory_space<hbm>>
      tpu.wait_dma2 semaphore(%run_scoped3A : memref<!tpu.dma_semaphore, #tpu.memory_space<semaphore_mem>>) src(%dma_wait3A_17 : memref<158x128xi32, #tpu.memory_space<hbm>>) dst(%arg6 : memref<158x128xi32, #tpu.memory_space<vmem>>)
      tpu.yield
    }) : () -> ()
    %scan3A = arith.constant 0 : i32
    %scan3A_0 = arith.constant 2 : i32
    %scan3A_1 = arith.addi %scan3A, %scan3A_0 : i32
    %scan3A_2 = arith.constant 1 : i32
    scf.for %scan3A_4 = %scan3A to %scan3A_1 step %scan3A_2  : i32 {
      %mul3A = arith.constant 1 : i32
      %mul3A_5 = arith.muli %scan3A_4, %mul3A : i32
      %add3A = arith.constant 0 : i32
      %add3A_6 = arith.addi %add3A, %mul3A_5 : i32
      %scan3A_7 = arith.constant 0 : i32
      %scan3A_8 = arith.constant 128 : i32
      %scan3A_9 = arith.addi %scan3A_7, %scan3A_8 : i32
      %scan3A_10 = arith.constant 1 : i32
      scf.for %scan3A_38 = %scan3A_7 to %scan3A_9 step %scan3A_10  : i32 {
        %mul3A_39 = arith.constant 1 : i32
        %mul3A_40 = arith.muli %scan3A_38, %mul3A_39 : i32
        %add3A_41 = arith.constant 0 : i32
        %add3A_42 = arith.addi %add3A_41, %mul3A_40 : i32
        %broadcast_in_dim3A = arith.constant 0.000000e+00 : f32
        %broadcast_in_dim3A_43 = vector.broadcast %broadcast_in_dim3A : f32 to vector<16xf32>
        %swap3A = arith.index_cast %add3A_42 : i32 to index
        %swap3A_44 = arith.constant 0 : index
        %swap3A_45 = tpu.vector_load %arg8[%swap3A, %swap3A_44] {strides = array<i32>} : memref<128x128xf32, #tpu.memory_space<vmem>>, vector<1x16xf32>,
        %swap3A_46 = vector.shape_cast %swap3A_45 : vector<1x16xf32> to vector<16xf32>
        %swap3A_47 = vector.shape_cast %broadcast_in_dim3A_43 : vector<16xf32> to vector<1x16xf32>
        tpu.vector_store %arg8[%swap3A, %swap3A_44], %swap3A_47 {strides = array<i32>} : memref<128x128xf32, #tpu.memory_space<vmem>>, vector<1x16xf32>,
        %broadcast_in_dim3A_48 = arith.constant 0.000000e+00 : f32
        %broadcast_in_dim3A_49 = vector.broadcast %broadcast_in_dim3A_48 : f32 to vector<16xf32>
        %swap3A_50 = arith.index_cast %add3A_42 : i32 to index
        %swap3A_51 = arith.constant 16 : index
        %swap3A_52 = tpu.vector_load %arg8[%swap3A_50, %swap3A_51] {strides = array<i32>} : memref<128x128xf32, #tpu.memory_space<vmem>>, vector<1x16xf32>,
        %swap3A_53 = vector.shape_cast %swap3A_52 : vector<1x16xf32> to vector<16xf32>
        %swap3A_54 = vector.shape_cast %broadcast_in_dim3A_49 : vector<16xf32> to vector<1x16xf32>
        tpu.vector_store %arg8[%swap3A_50, %swap3A_51], %swap3A_54 {strides = array<i32>} : memref<128x128xf32, #tpu.memory_space<vmem>>, vector<1x16xf32>,
        %broadcast_in_dim3A_55 = arith.constant 0.000000e+00 : f32
        %broadcast_in_dim3A_56 = vector.broadcast %broadcast_in_dim3A_55 : f32 to vector<16xf32>
        %swap3A_57 = arith.index_cast %add3A_42 : i32 to index
        %swap3A_58 = arith.constant 32 : index
        %swap3A_59 = tpu.vector_load %arg8[%swap3A_57, %swap3A_58] {strides = array<i32>} : memref<128x128xf32, #tpu.memory_space<vmem>>, vector<1x16xf32>,
        %swap3A_60 = vector.shape_cast %swap3A_59 : vector<1x16xf32> to vector<16xf32>
        %swap3A_61 = vector.shape_cast %broadcast_in_dim3A_56 : vector<16xf32> to vector<1x16xf32>
        tpu.vector_store %arg8[%swap3A_57, %swap3A_58], %swap3A_61 {strides = array<i32>} : memref<128x128xf32, #tpu.memory_space<vmem>>, vector<1x16xf32>,
        %broadcast_in_dim3A_62 = arith.constant 0.000000e+00 : f32
        %broadcast_in_dim3A_63 = vector.broadcast %broadcast_in_dim3A_62 : f32 to vector<16xf32>
        %swap3A_64 = arith.index_cast %add3A_42 : i32 to index
        %swap3A_65 = arith.constant 48 : index
        %swap3A_66 = tpu.vector_load %arg8[%swap3A_64, %swap3A_65] {strides = array<i32>} : memref<128x128xf32, #tpu.memory_space<vmem>>, vector<1x16xf32>,
        %swap3A_67 = vector.shape_cast %swap3A_66 : vector<1x16xf32> to vector<16xf32>
        %swap3A_68 = vector.shape_cast %broadcast_in_dim3A_63 : vector<16xf32> to vector<1x16xf32>
        tpu.vector_store %arg8[%swap3A_64, %swap3A_65], %swap3A_68 {strides = array<i32>} : memref<128x128xf32, #tpu.memory_space<vmem>>, vector<1x16xf32>,
        %broadcast_in_dim3A_69 = arith.constant 0.000000e+00 : f32
        %broadcast_in_dim3A_70 = vector.broadcast %broadcast_in_dim3A_69 : f32 to vector<16xf32>
        %swap3A_71 = arith.index_cast %add3A_42 : i32 to index
        %swap3A_72 = arith.constant 64 : index
        %swap3A_73 = tpu.vector_load %arg8[%swap3A_71, %swap3A_72] {strides = array<i32>} : memref<128x128xf32, #tpu.memory_space<vmem>>, vector<1x16xf32>,
        %swap3A_74 = vector.shape_cast %swap3A_73 : vector<1x16xf32> to vector<16xf32>
        %swap3A_75 = vector.shape_cast %broadcast_in_dim3A_70 : vector<16xf32> to vector<1x16xf32>
        tpu.vector_store %arg8[%swap3A_71, %swap3A_72], %swap3A_75 {strides = array<i32>} : memref<128x128xf32, #tpu.memory_space<vmem>>, vector<1x16xf32>,
        %broadcast_in_dim3A_76 = arith.constant 0.000000e+00 : f32
        %broadcast_in_dim3A_77 = vector.broadcast %broadcast_in_dim3A_76 : f32 to vector<16xf32>
        %swap3A_78 = arith.index_cast %add3A_42 : i32 to index
        %swap3A_79 = arith.constant 80 : index
        %swap3A_80 = tpu.vector_load %arg8[%swap3A_78, %swap3A_79] {strides = array<i32>} : memref<128x128xf32, #tpu.memory_space<vmem>>, vector<1x16xf32>,
        %swap3A_81 = vector.shape_cast %swap3A_80 : vector<1x16xf32> to vector<16xf32>
        %swap3A_82 = vector.shape_cast %broadcast_in_dim3A_77 : vector<16xf32> to vector<1x16xf32>
        tpu.vector_store %arg8[%swap3A_78, %swap3A_79], %swap3A_82 {strides = array<i32>} : memref<128x128xf32, #tpu.memory_space<vmem>>, vector<1x16xf32>,
        %broadcast_in_dim3A_83 = arith.constant 0.000000e+00 : f32
        %broadcast_in_dim3A_84 = vector.broadcast %broadcast_in_dim3A_83 : f32 to vector<16xf32>
        %swap3A_85 = arith.index_cast %add3A_42 : i32 to index
        %swap3A_86 = arith.constant 96 : index
        %swap3A_87 = tpu.vector_load %arg8[%swap3A_85, %swap3A_86] {strides = array<i32>} : memref<128x128xf32, #tpu.memory_space<vmem>>, vector<1x16xf32>,
        %swap3A_88 = vector.shape_cast %swap3A_87 : vector<1x16xf32> to vector<16xf32>
        %swap3A_89 = vector.shape_cast %broadcast_in_dim3A_84 : vector<16xf32> to vector<1x16xf32>
        tpu.vector_store %arg8[%swap3A_85, %swap3A_86], %swap3A_89 {strides = array<i32>} : memref<128x128xf32, #tpu.memory_space<vmem>>, vector<1x16xf32>,
        %broadcast_in_dim3A_90 = arith.constant 0.000000e+00 : f32
        %broadcast_in_dim3A_91 = vector.broadcast %broadcast_in_dim3A_90 : f32 to vector<16xf32>
        %swap3A_92 = arith.index_cast %add3A_42 : i32 to index
        %swap3A_93 = arith.constant 112 : index
        %swap3A_94 = tpu.vector_load %arg8[%swap3A_92, %swap3A_93] {strides = array<i32>} : memref<128x128xf32, #tpu.memory_space<vmem>>, vector<1x16xf32>,
        %swap3A_95 = vector.shape_cast %swap3A_94 : vector<1x16xf32> to vector<16xf32>
        %swap3A_96 = vector.shape_cast %broadcast_in_dim3A_91 : vector<16xf32> to vector<1x16xf32>
        tpu.vector_store %arg8[%swap3A_92, %swap3A_93], %swap3A_96 {strides = array<i32>} : memref<128x128xf32, #tpu.memory_space<vmem>>, vector<1x16xf32>,
      }
      %scan3A_11 = arith.constant 128 : i32
      %mul3A_12 = arith.constant 336 : i32
      %mul3A_13 = arith.muli %arg1, %mul3A_12 : i32
      "tpu.region"() ({
        %run_scoped3A = tpu.sem_alloc : memref<!tpu.dma_semaphore, #tpu.memory_space<semaphore_mem>>
        %dma_start3A_38 = arith.constant 0 : i32
        %dma_start3A_39 = tpu.memref_slice %arg10[%mul3A_13, %dma_start3A_38] : memref<5376x128xf32, #tpu.memory_space<vmem_shared>> -> memref<128x128xf32, #tpu.memory_space<vmem_shared>>
        %dma_start3A_40 = arith.constant 0 : i32
        %dma_start3A_41 = tpu.memref_slice %arg10[%mul3A_13, %dma_start3A_40] : memref<5376x128xf32, #tpu.memory_space<vmem_shared>> -> memref<128x128xf32, #tpu.memory_space<vmem_shared>>
        tpu.enqueue_dma source(%arg8 : memref<128x128xf32, #tpu.memory_space<vmem>>) target(%dma_start3A_41 : memref<128x128xf32, #tpu.memory_space<vmem_shared>>) target_semaphore(%run_scoped3A : memref<!tpu.dma_semaphore, #tpu.memory_space<semaphore_mem>>)
        %dma_wait3A = arith.constant 0 : i32
        %dma_wait3A_42 = tpu.memref_slice %arg10[%mul3A_13, %dma_wait3A] : memref<5376x128xf32, #tpu.memory_space<vmem_shared>> -> memref<128x128xf32, #tpu.memory_space<vmem_shared>>
        %dma_wait3A_43 = arith.constant 0 : i32
        %dma_wait3A_44 = tpu.memref_slice %arg10[%mul3A_13, %dma_wait3A_43] : memref<5376x128xf32, #tpu.memory_space<vmem_shared>> -> memref<128x128xf32, #tpu.memory_space<vmem_shared>>
        tpu.wait_dma2 semaphore(%run_scoped3A : memref<!tpu.dma_semaphore, #tpu.memory_space<semaphore_mem>>) src(%arg8 : memref<128x128xf32, #tpu.memory_space<vmem>>) dst(%dma_wait3A_44 : memref<128x128xf32, #tpu.memory_space<vmem_shared>>)
        tpu.yield
      }) : () -> ()
      %add3A_14 = arith.constant 128 : i32
      %add3A_15 = arith.addi %mul3A_13, %add3A_14 : i32
      "tpu.region"() ({
        %run_scoped3A = tpu.sem_alloc : memref<!tpu.dma_semaphore, #tpu.memory_space<semaphore_mem>>
        %dma_start3A_38 = arith.constant 0 : i32
        %dma_start3A_39 = tpu.memref_slice %arg10[%add3A_15, %dma_start3A_38] : memref<5376x128xf32, #tpu.memory_space<vmem_shared>> -> memref<128x128xf32, #tpu.memory_space<vmem_shared>>
        %dma_start3A_40 = arith.constant 0 : i32
        %dma_start3A_41 = tpu.memref_slice %arg10[%add3A_15, %dma_start3A_40] : memref<5376x128xf32, #tpu.memory_space<vmem_shared>> -> memref<128x128xf32, #tpu.memory_space<vmem_shared>>
        tpu.enqueue_dma source(%arg8 : memref<128x128xf32, #tpu.memory_space<vmem>>) target(%dma_start3A_41 : memref<128x128xf32, #tpu.memory_space<vmem_shared>>) target_semaphore(%run_scoped3A : memref<!tpu.dma_semaphore, #tpu.memory_space<semaphore_mem>>)
        %dma_wait3A = arith.constant 0 : i32
        %dma_wait3A_42 = tpu.memref_slice %arg10[%add3A_15, %dma_wait3A] : memref<5376x128xf32, #tpu.memory_space<vmem_shared>> -> memref<128x128xf32, #tpu.memory_space<vmem_shared>>
        %dma_wait3A_43 = arith.constant 0 : i32
        %dma_wait3A_44 = tpu.memref_slice %arg10[%add3A_15, %dma_wait3A_43] : memref<5376x128xf32, #tpu.memory_space<vmem_shared>> -> memref<128x128xf32, #tpu.memory_space<vmem_shared>>
        tpu.wait_dma2 semaphore(%run_scoped3A : memref<!tpu.dma_semaphore, #tpu.memory_space<semaphore_mem>>) src(%arg8 : memref<128x128xf32, #tpu.memory_space<vmem>>) dst(%dma_wait3A_44 : memref<128x128xf32, #tpu.memory_space<vmem_shared>>)
        tpu.yield
      }) : () -> ()
      %add3A_16 = arith.constant 256 : i32
      %add3A_17 = arith.addi %mul3A_13, %add3A_16 : i32
      "tpu.region"() ({
        %run_scoped3A = tpu.sem_alloc : memref<!tpu.dma_semaphore, #tpu.memory_space<semaphore_mem>>
        %dma_start3A_38 = arith.constant 0 : i32
        %dma_start3A_39 = arith.constant 0 : i32
        %dma_start3A_40 = tpu.memref_slice %arg8[%dma_start3A_38, %dma_start3A_39] : memref<128x128xf32, #tpu.memory_space<vmem>> -> memref<80x128xf32, #tpu.memory_space<vmem>>
        %dma_start3A_41 = arith.constant 0 : i32
        %dma_start3A_42 = tpu.memref_slice %arg10[%add3A_17, %dma_start3A_41] : memref<5376x128xf32, #tpu.memory_space<vmem_shared>> -> memref<80x128xf32, #tpu.memory_space<vmem_shared>>
        %dma_start3A_43 = arith.constant 0 : i32
        %dma_start3A_44 = tpu.memref_slice %arg10[%add3A_17, %dma_start3A_43] : memref<5376x128xf32, #tpu.memory_space<vmem_shared>> -> memref<80x128xf32, #tpu.memory_space<vmem_shared>>
        %dma_start3A_45 = arith.constant 0 : i32
        %dma_start3A_46 = arith.constant 0 : i32
        %dma_start3A_47 = tpu.memref_slice %arg8[%dma_start3A_45, %dma_start3A_46] : memref<128x128xf32, #tpu.memory_space<vmem>> -> memref<80x128xf32, #tpu.memory_space<vmem>>
        tpu.enqueue_dma source(%dma_start3A_47 : memref<80x128xf32, #tpu.memory_space<vmem>>) target(%dma_start3A_44 : memref<80x128xf32, #tpu.memory_space<vmem_shared>>) target_semaphore(%run_scoped3A : memref<!tpu.dma_semaphore, #tpu.memory_space<semaphore_mem>>)
        %dma_wait3A = arith.constant 0 : i32
        %dma_wait3A_48 = arith.constant 0 : i32
        %dma_wait3A_49 = tpu.memref_slice %arg8[%dma_wait3A, %dma_wait3A_48] : memref<128x128xf32, #tpu.memory_space<vmem>> -> memref<80x128xf32, #tpu.memory_space<vmem>>
        %dma_wait3A_50 = arith.constant 0 : i32
        %dma_wait3A_51 = tpu.memref_slice %arg10[%add3A_17, %dma_wait3A_50] : memref<5376x128xf32, #tpu.memory_space<vmem_shared>> -> memref<80x128xf32, #tpu.memory_space<vmem_shared>>
        %dma_wait3A_52 = arith.constant 0 : i32
        %dma_wait3A_53 = tpu.memref_slice %arg10[%add3A_17, %dma_wait3A_52] : memref<5376x128xf32, #tpu.memory_space<vmem_shared>> -> memref<80x128xf32, #tpu.memory_space<vmem_shared>>
        %dma_wait3A_54 = arith.constant 0 : i32
        %dma_wait3A_55 = arith.constant 0 : i32
        %dma_wait3A_56 = tpu.memref_slice %arg8[%dma_wait3A_54, %dma_wait3A_55] : memref<128x128xf32, #tpu.memory_space<vmem>> -> memref<80x128xf32, #tpu.memory_space<vmem>>
        tpu.wait_dma2 semaphore(%run_scoped3A : memref<!tpu.dma_semaphore, #tpu.memory_space<semaphore_mem>>) src(%dma_wait3A_56 : memref<80x128xf32, #tpu.memory_space<vmem>>) dst(%dma_wait3A_53 : memref<80x128xf32, #tpu.memory_space<vmem_shared>>)
        tpu.yield
      }) : () -> ()
      "tpu.region"() ({
        %run_scoped3A = tpu.sem_alloc : memref<!tpu.dma_semaphore, #tpu.memory_space<semaphore_mem>>
        %dma_start3A_38 = arith.constant 0 : i32
        %dma_start3A_39 = arith.constant 0 : i32
        %dma_start3A_40 = tpu.memref_slice %arg4[%add3A_6, %arg1, %dma_start3A_38, %dma_start3A_39] : memref<2x16x158x128xi32, #tpu.memory_space<hbm>> -> memref<1x1x158x128xi32, #tpu.memory_space<hbm>>
        %dma_start3A_41 = tpu.memref_squeeze %dma_start3A_40 : memref<1x1x158x128xi32, #tpu.memory_space<hbm>> -> memref<158x128xi32, #tpu.memory_space<hbm>>
        %dma_start3A_42 = arith.constant 0 : i32
        %dma_start3A_43 = arith.constant 0 : i32
        %dma_start3A_44 = tpu.memref_slice %arg4[%add3A_6, %arg1, %dma_start3A_42, %dma_start3A_43] : memref<2x16x158x128xi32, #tpu.memory_space<hbm>> -> memref<1x1x158x128xi32, #tpu.memory_space<hbm>>
        %dma_start3A_45 = tpu.memref_squeeze %dma_start3A_44 : memref<1x1x158x128xi32, #tpu.memory_space<hbm>> -> memref<158x128xi32, #tpu.memory_space<hbm>>
        tpu.enqueue_dma source(%dma_start3A_45 : memref<158x128xi32, #tpu.memory_space<hbm>>) target(%arg7 : memref<158x128xi32, #tpu.memory_space<vmem>>) target_semaphore(%run_scoped3A : memref<!tpu.dma_semaphore, #tpu.memory_space<semaphore_mem>>)
        %dma_wait3A = arith.constant 0 : i32
        %dma_wait3A_46 = arith.constant 0 : i32
        %dma_wait3A_47 = tpu.memref_slice %arg4[%add3A_6, %arg1, %dma_wait3A, %dma_wait3A_46] : memref<2x16x158x128xi32, #tpu.memory_space<hbm>> -> memref<1x1x158x128xi32, #tpu.memory_space<hbm>>
        %dma_wait3A_48 = tpu.memref_squeeze %dma_wait3A_47 : memref<1x1x158x128xi32, #tpu.memory_space<hbm>> -> memref<158x128xi32, #tpu.memory_space<hbm>>
        %dma_wait3A_49 = arith.constant 0 : i32
        %dma_wait3A_50 = arith.constant 0 : i32
        %dma_wait3A_51 = tpu.memref_slice %arg4[%add3A_6, %arg1, %dma_wait3A_49, %dma_wait3A_50] : memref<2x16x158x128xi32, #tpu.memory_space<hbm>> -> memref<1x1x158x128xi32, #tpu.memory_space<hbm>>
        %dma_wait3A_52 = tpu.memref_squeeze %dma_wait3A_51 : memref<1x1x158x128xi32, #tpu.memory_space<hbm>> -> memref<158x128xi32, #tpu.memory_space<hbm>>
        tpu.wait_dma2 semaphore(%run_scoped3A : memref<!tpu.dma_semaphore, #tpu.memory_space<semaphore_mem>>) src(%dma_wait3A_52 : memref<158x128xi32, #tpu.memory_space<hbm>>) dst(%arg7 : memref<158x128xi32, #tpu.memory_space<vmem>>)
        tpu.yield
      }) : () -> ()
      %barrier3A = arith.constant 0 : index
      tpu.barrier barrier_id(%barrier3A)
      %dma_start3A = arith.constant 0 : i32
      %dma_start3A_18 = arith.constant 0 : i32
      %dma_start3A_19 = tpu.memref_slice %arg6[%dma_start3A, %dma_start3A_18] : memref<158x128xi32, #tpu.memory_space<vmem>> -> memref<1x128xi32, #tpu.memory_space<vmem>>
      %dma_start3A_20 = tpu.memref_squeeze %dma_start3A_19 : memref<1x128xi32, #tpu.memory_space<vmem>> -> memref<128xi32, #tpu.memory_space<vmem>>
      %dma_start3A_21 = arith.constant 0 : i32
      %dma_start3A_22 = arith.constant 0 : i32
      %dma_start3A_23 = tpu.memref_slice %arg2[%dma_start3A_21, %dma_start3A_22] : memref<20480x128xf32, #tpu.memory_space<hbm>> -> memref<20480x128xf32, #tpu.memory_space<hbm>>
      tpu.enqueue_indirect_dma source(%dma_start3A_23 : memref<20480x128xf32, #tpu.memory_space<hbm>>) target(%arg8 : memref<128x128xf32, #tpu.memory_space<vmem>>) offsets(%dma_start3A_20 : memref<128xi32, #tpu.memory_space<vmem>>) semaphore(%arg11 : memref<!tpu.dma_semaphore, #tpu.memory_space<semaphore_mem>>)
      %scan3A_24 = arith.constant 0 : i32
      %scan3A_25 = arith.constant 79 : i32
      %scan3A_26 = arith.addi %scan3A_24, %scan3A_25 : i32
      %scan3A_27 = arith.constant 1 : i32
      scf.for %scan3A_38 = %scan3A_24 to %scan3A_26 step %scan3A_27  : i32 {
        %mul3A_39 = arith.constant 1 : i32
        %mul3A_40 = arith.muli %scan3A_38, %mul3A_39 : i32
        %add3A_41 = arith.constant 0 : i32
        %add3A_42 = arith.addi %add3A_41, %mul3A_40 : i32
        %mul3A_43 = arith.constant 2 : i32
        %mul3A_44 = arith.muli %mul3A_43, %add3A_42 : i32
        %add3A_45 = arith.constant 1 : i32
        %add3A_46 = arith.addi %mul3A_44, %add3A_45 : i32
        %dma_start3A_47 = arith.constant 0 : i32
        %dma_start3A_48 = tpu.memref_slice %arg6[%add3A_46, %dma_start3A_47] : memref<158x128xi32, #tpu.memory_space<vmem>> -> memref<1x128xi32, #tpu.memory_space<vmem>>
        %dma_start3A_49 = tpu.memref_squeeze %dma_start3A_48 : memref<1x128xi32, #tpu.memory_space<vmem>> -> memref<128xi32, #tpu.memory_space<vmem>>
        %dma_start3A_50 = arith.constant 0 : i32
        %dma_start3A_51 = arith.constant 0 : i32
        %dma_start3A_52 = tpu.memref_slice %arg2[%dma_start3A_50, %dma_start3A_51] : memref<20480x128xf32, #tpu.memory_space<hbm>> -> memref<20480x128xf32, #tpu.memory_space<hbm>>
        tpu.enqueue_indirect_dma source(%dma_start3A_52 : memref<20480x128xf32, #tpu.memory_space<hbm>>) target(%arg9 : memref<128x128xf32, #tpu.memory_space<vmem>>) offsets(%dma_start3A_49 : memref<128xi32, #tpu.memory_space<vmem>>) semaphore(%arg12 : memref<!tpu.dma_semaphore, #tpu.memory_space<semaphore_mem>>)
        %dma_wait3A = arith.constant 0 : i32
        %dma_wait3A_53 = tpu.memref_slice %arg6[%mul3A_44, %dma_wait3A] : memref<158x128xi32, #tpu.memory_space<vmem>> -> memref<1x128xi32, #tpu.memory_space<vmem>>
        %dma_wait3A_54 = tpu.memref_squeeze %dma_wait3A_53 : memref<1x128xi32, #tpu.memory_space<vmem>> -> memref<128xi32, #tpu.memory_space<vmem>>
        %dma_wait3A_55 = arith.constant 0 : i32
        %dma_wait3A_56 = arith.constant 0 : i32
        %dma_wait3A_57 = tpu.memref_slice %arg2[%dma_wait3A_55, %dma_wait3A_56] : memref<20480x128xf32, #tpu.memory_space<hbm>> -> memref<20480x128xf32, #tpu.memory_space<hbm>>
        tpu.wait_indirect_dma semaphore(%arg11 : memref<!tpu.dma_semaphore, #tpu.memory_space<semaphore_mem>>) src(%dma_wait3A_57 : memref<20480x128xf32, #tpu.memory_space<hbm>>) dst(%arg8 : memref<128x128xf32, #tpu.memory_space<vmem>>)
        "tpu.region"() ({
          %run_scoped3A = tpu.sem_alloc : memref<!tpu.dma_semaphore, #tpu.memory_space<semaphore_mem>>
          %dma_start3A_72 = arith.constant 0 : i32
          %dma_start3A_73 = tpu.memref_slice %arg7[%mul3A_44, %dma_start3A_72] : memref<158x128xi32, #tpu.memory_space<vmem>> -> memref<1x128xi32, #tpu.memory_space<vmem>>
          %dma_start3A_74 = tpu.memref_squeeze %dma_start3A_73 : memref<1x128xi32, #tpu.memory_space<vmem>> -> memref<128xi32, #tpu.memory_space<vmem>>
          %dma_start3A_75 = arith.constant 0 : i32
          %dma_start3A_76 = arith.constant 0 : i32
          %dma_start3A_77 = tpu.memref_slice %arg10[%dma_start3A_75, %dma_start3A_76] : memref<5376x128xf32, #tpu.memory_space<vmem_shared>> -> memref<5376x128xf32, #tpu.memory_space<vmem_shared>>
          tpu.enqueue_indirect_dma source(%arg8 : memref<128x128xf32, #tpu.memory_space<vmem>>) target(%dma_start3A_77 : memref<5376x128xf32, #tpu.memory_space<vmem_shared>>) offsets(%dma_start3A_74 : memref<128xi32, #tpu.memory_space<vmem>>) semaphore(%run_scoped3A : memref<!tpu.dma_semaphore, #tpu.memory_space<semaphore_mem>>) {add = true}
          %dma_wait3A_78 = arith.constant 0 : i32
          %dma_wait3A_79 = tpu.memref_slice %arg7[%mul3A_44, %dma_wait3A_78] : memref<158x128xi32, #tpu.memory_space<vmem>> -> memref<1x128xi32, #tpu.memory_space<vmem>>
          %dma_wait3A_80 = tpu.memref_squeeze %dma_wait3A_79 : memref<1x128xi32, #tpu.memory_space<vmem>> -> memref<128xi32, #tpu.memory_space<vmem>>
          %dma_wait3A_81 = arith.constant 0 : i32
          %dma_wait3A_82 = arith.constant 0 : i32
          %dma_wait3A_83 = tpu.memref_slice %arg10[%dma_wait3A_81, %dma_wait3A_82] : memref<5376x128xf32, #tpu.memory_space<vmem_shared>> -> memref<5376x128xf32, #tpu.memory_space<vmem_shared>>
          tpu.wait_indirect_dma semaphore(%run_scoped3A : memref<!tpu.dma_semaphore, #tpu.memory_space<semaphore_mem>>) src(%arg8 : memref<128x128xf32, #tpu.memory_space<vmem>>) dst(%dma_wait3A_83 : memref<5376x128xf32, #tpu.memory_space<vmem_shared>>)
          tpu.yield
        }) : () -> ()
        %add3A_58 = arith.constant 2 : i32
        %add3A_59 = arith.addi %mul3A_44, %add3A_58 : i32
        %lt3A = arith.constant 158 : i32
        %lt3A_60 = arith.cmpi slt, %add3A_59, %lt3A : i32
        %convert_element_type3A = arith.extui %lt3A_60 : i1 to i32
        %cond3A = arith.constant 0 : i32
        %cond3A_61 = arith.cmpi ne, %convert_element_type3A, %cond3A : i32
        scf.if %cond3A_61 {
          %add3A_72 = arith.constant 2 : i32
          %add3A_73 = arith.addi %mul3A_44, %add3A_72 : i32
          %dma_start3A_74 = arith.constant 0 : i32
          %dma_start3A_75 = tpu.memref_slice %arg6[%add3A_73, %dma_start3A_74] : memref<158x128xi32, #tpu.memory_space<vmem>> -> memref<1x128xi32, #tpu.memory_space<vmem>>
          %dma_start3A_76 = tpu.memref_squeeze %dma_start3A_75 : memref<1x128xi32, #tpu.memory_space<vmem>> -> memref<128xi32, #tpu.memory_space<vmem>>
          %dma_start3A_77 = arith.constant 0 : i32
          %dma_start3A_78 = arith.constant 0 : i32
          %dma_start3A_79 = tpu.memref_slice %arg2[%dma_start3A_77, %dma_start3A_78] : memref<20480x128xf32, #tpu.memory_space<hbm>> -> memref<20480x128xf32, #tpu.memory_space<hbm>>
          tpu.enqueue_indirect_dma source(%dma_start3A_79 : memref<20480x128xf32, #tpu.memory_space<hbm>>) target(%arg8 : memref<128x128xf32, #tpu.memory_space<vmem>>) offsets(%dma_start3A_76 : memref<128xi32, #tpu.memory_space<vmem>>) semaphore(%arg11 : memref<!tpu.dma_semaphore, #tpu.memory_space<semaphore_mem>>)
        } else {
        }
        %add3A_62 = arith.constant 1 : i32
        %add3A_63 = arith.addi %mul3A_44, %add3A_62 : i32
        %dma_wait3A_64 = arith.constant 0 : i32
        %dma_wait3A_65 = tpu.memref_slice %arg6[%add3A_63, %dma_wait3A_64] : memref<158x128xi32, #tpu.memory_space<vmem>> -> memref<1x128xi32, #tpu.memory_space<vmem>>
        %dma_wait3A_66 = tpu.memref_squeeze %dma_wait3A_65 : memref<1x128xi32, #tpu.memory_space<vmem>> -> memref<128xi32, #tpu.memory_space<vmem>>
        %dma_wait3A_67 = arith.constant 0 : i32
        %dma_wait3A_68 = arith.constant 0 : i32
        %dma_wait3A_69 = tpu.memref_slice %arg2[%dma_wait3A_67, %dma_wait3A_68] : memref<20480x128xf32, #tpu.memory_space<hbm>> -> memref<20480x128xf32, #tpu.memory_space<hbm>>
        tpu.wait_indirect_dma semaphore(%arg12 : memref<!tpu.dma_semaphore, #tpu.memory_space<semaphore_mem>>) src(%dma_wait3A_69 : memref<20480x128xf32, #tpu.memory_space<hbm>>) dst(%arg9 : memref<128x128xf32, #tpu.memory_space<vmem>>)
        %add3A_70 = arith.constant 1 : i32
        %add3A_71 = arith.addi %mul3A_44, %add3A_70 : i32
        "tpu.region"() ({
          %run_scoped3A = tpu.sem_alloc : memref<!tpu.dma_semaphore, #tpu.memory_space<semaphore_mem>>
          %dma_start3A_72 = arith.constant 0 : i32
          %dma_start3A_73 = tpu.memref_slice %arg7[%add3A_71, %dma_start3A_72] : memref<158x128xi32, #tpu.memory_space<vmem>> -> memref<1x128xi32, #tpu.memory_space<vmem>>
          %dma_start3A_74 = tpu.memref_squeeze %dma_start3A_73 : memref<1x128xi32, #tpu.memory_space<vmem>> -> memref<128xi32, #tpu.memory_space<vmem>>
          %dma_start3A_75 = arith.constant 0 : i32
          %dma_start3A_76 = arith.constant 0 : i32
          %dma_start3A_77 = tpu.memref_slice %arg10[%dma_start3A_75, %dma_start3A_76] : memref<5376x128xf32, #tpu.memory_space<vmem_shared>> -> memref<5376x128xf32, #tpu.memory_space<vmem_shared>>
          tpu.enqueue_indirect_dma source(%arg9 : memref<128x128xf32, #tpu.memory_space<vmem>>) target(%dma_start3A_77 : memref<5376x128xf32, #tpu.memory_space<vmem_shared>>) offsets(%dma_start3A_74 : memref<128xi32, #tpu.memory_space<vmem>>) semaphore(%run_scoped3A : memref<!tpu.dma_semaphore, #tpu.memory_space<semaphore_mem>>) {add = true}
          %dma_wait3A_78 = arith.constant 0 : i32
          %dma_wait3A_79 = tpu.memref_slice %arg7[%add3A_71, %dma_wait3A_78] : memref<158x128xi32, #tpu.memory_space<vmem>> -> memref<1x128xi32, #tpu.memory_space<vmem>>
          %dma_wait3A_80 = tpu.memref_squeeze %dma_wait3A_79 : memref<1x128xi32, #tpu.memory_space<vmem>> -> memref<128xi32, #tpu.memory_space<vmem>>
          %dma_wait3A_81 = arith.constant 0 : i32
          %dma_wait3A_82 = arith.constant 0 : i32
          %dma_wait3A_83 = tpu.memref_slice %arg10[%dma_wait3A_81, %dma_wait3A_82] : memref<5376x128xf32, #tpu.memory_space<vmem_shared>> -> memref<5376x128xf32, #tpu.memory_space<vmem_shared>>
          tpu.wait_indirect_dma semaphore(%run_scoped3A : memref<!tpu.dma_semaphore, #tpu.memory_space<semaphore_mem>>) src(%arg9 : memref<128x128xf32, #tpu.memory_space<vmem>>) dst(%dma_wait3A_83 : memref<5376x128xf32, #tpu.memory_space<vmem_shared>>)
          tpu.yield
        }) : () -> ()
      }
      %scan3A_28 = arith.constant 79 : i32
      %barrier3A_29 = arith.constant 0 : index
      tpu.barrier barrier_id(%barrier3A_29)
      %mul3A_30 = arith.constant 320 : i32
      %mul3A_31 = arith.muli %arg1, %mul3A_30 : i32
      %mul3A_32 = arith.constant 5120 : i32
      %mul3A_33 = arith.muli %add3A_6, %mul3A_32 : i32
      %mul3A_34 = arith.constant 320 : i32
      %mul3A_35 = arith.muli %arg1, %mul3A_34 : i32
      %add3A_36 = arith.addi %mul3A_33, %mul3A_35 : i32
      "tpu.region"() ({
        %run_scoped3A = tpu.sem_alloc : memref<!tpu.dma_semaphore, #tpu.memory_space<semaphore_mem>>
        %dma_start3A_38 = arith.constant 0 : i32
        %dma_start3A_39 = tpu.memref_slice %arg5[%arg0, %add3A_36, %dma_start3A_38] : memref<2x10240x128xf32, #tpu.memory_space<hbm>> -> memref<1x320x128xf32, #tpu.memory_space<hbm>>
        %dma_start3A_40 = tpu.memref_squeeze %dma_start3A_39 : memref<1x320x128xf32, #tpu.memory_space<hbm>> -> memref<320x128xf32, #tpu.memory_space<hbm>>
        %dma_start3A_41 = arith.constant 0 : i32
        %dma_start3A_42 = tpu.memref_slice %arg10[%mul3A_31, %dma_start3A_41] : memref<5376x128xf32, #tpu.memory_space<vmem_shared>> -> memref<320x128xf32, #tpu.memory_space<vmem_shared>>
        tpu.enqueue_dma source(%dma_start3A_42 : memref<320x128xf32, #tpu.memory_space<vmem_shared>>) target(%dma_start3A_40 : memref<320x128xf32, #tpu.memory_space<hbm>>) target_semaphore(%run_scoped3A : memref<!tpu.dma_semaphore, #tpu.memory_space<semaphore_mem>>)
        %dma_wait3A = arith.constant 0 : i32
        %dma_wait3A_43 = tpu.memref_slice %arg5[%arg0, %add3A_36, %dma_wait3A] : memref<2x10240x128xf32, #tpu.memory_space<hbm>> -> memref<1x320x128xf32, #tpu.memory_space<hbm>>
        %dma_wait3A_44 = tpu.memref_squeeze %dma_wait3A_43 : memref<1x320x128xf32, #tpu.memory_space<hbm>> -> memref<320x128xf32, #tpu.memory_space<hbm>>
        %dma_wait3A_45 = arith.constant 0 : i32
        %dma_wait3A_46 = tpu.memref_slice %arg10[%mul3A_31, %dma_wait3A_45] : memref<5376x128xf32, #tpu.memory_space<vmem_shared>> -> memref<320x128xf32, #tpu.memory_space<vmem_shared>>
        tpu.wait_dma2 semaphore(%run_scoped3A : memref<!tpu.dma_semaphore, #tpu.memory_space<semaphore_mem>>) src(%dma_wait3A_46 : memref<320x128xf32, #tpu.memory_space<vmem_shared>>) dst(%dma_wait3A_44 : memref<320x128xf32, #tpu.memory_space<hbm>>)
        tpu.yield
      }) : () -> ()
      %barrier3A_37 = arith.constant 0 : index
      tpu.barrier barrier_id(%barrier3A_37)
    }
    %scan3A_3 = arith.constant 2 : i32
    return
  }
}

#map = affine_map<(d0, d1) -> (0, 0)>
#map1 = affine_map<(d0, d1) -> (0, 0, 0, 0)>
#map2 = affine_map<(d0, d1) -> (0, 0, 0)>
module attributes {stable_mosaic.version = 14 : i64} {
  func.func @_prop_body(%arg0: i32, %arg1: i32, %arg2: memref<20480x128xf32, #tpu.memory_space<hbm>>, %arg3: memref<2x16x158x128xi32, #tpu.memory_space<hbm>>, %arg4: memref<2x16x158x128xi32, #tpu.memory_space<hbm>>, %arg5: memref<2x10240x128xf32, #tpu.memory_space<hbm>>, %arg6: memref<158x128xi32, #tpu.memory_space<vmem>>, %arg7: memref<158x128xi32, #tpu.memory_space<vmem>>, %arg8: memref<128x128xf32, #tpu.memory_space<vmem>>, %arg9: memref<128x128xf32, #tpu.memory_space<vmem>>, %arg10: memref<5376x128xf32, #tpu.memory_space<vmem_shared>>, %arg11: memref<!tpu.dma_semaphore, #tpu.memory_space<semaphore_mem>>, %arg12: memref<!tpu.dma_semaphore, #tpu.memory_space<semaphore_mem>>) attributes {dimension_semantics = [#tpu.dimension_semantics<core_parallel>, #tpu.dimension_semantics<subcore_parallel>], iteration_bounds = array<i64: 2, 16>, scalar_prefetch = 0 : i64, scratch_operands = 7 : i64, tpu.core_type = #tpu.core_type<sc_vector_subcore>, window_params = [{transform_indices = #map}, {transform_indices = #map1}, {transform_indices = #map1}, {transform_indices = #map2}]} {
    "tpu.region"() ({
      %run_scoped3A = tpu.sem_alloc : memref<!tpu.dma_semaphore, #tpu.memory_space<semaphore_mem>>
      %dma_start3A = arith.constant 0 : i32
      %dma_start3A_4 = arith.constant 0 : i32
      %dma_start3A_5 = tpu.memref_slice %arg3[%arg0, %arg1, %dma_start3A, %dma_start3A_4] : memref<2x16x158x128xi32, #tpu.memory_space<hbm>> -> memref<1x1x158x128xi32, #tpu.memory_space<hbm>>
      %dma_start3A_6 = tpu.memref_squeeze %dma_start3A_5 : memref<1x1x158x128xi32, #tpu.memory_space<hbm>> -> memref<158x128xi32, #tpu.memory_space<hbm>>
      %dma_start3A_7 = arith.constant 0 : i32
      %dma_start3A_8 = arith.constant 0 : i32
      %dma_start3A_9 = tpu.memref_slice %arg3[%arg0, %arg1, %dma_start3A_7, %dma_start3A_8] : memref<2x16x158x128xi32, #tpu.memory_space<hbm>> -> memref<1x1x158x128xi32, #tpu.memory_space<hbm>>
      %dma_start3A_10 = tpu.memref_squeeze %dma_start3A_9 : memref<1x1x158x128xi32, #tpu.memory_space<hbm>> -> memref<158x128xi32, #tpu.memory_space<hbm>>
      tpu.enqueue_dma source(%dma_start3A_10 : memref<158x128xi32, #tpu.memory_space<hbm>>) target(%arg6 : memref<158x128xi32, #tpu.memory_space<vmem>>) target_semaphore(%run_scoped3A : memref<!tpu.dma_semaphore, #tpu.memory_space<semaphore_mem>>)
      %dma_wait3A = arith.constant 0 : i32
      %dma_wait3A_11 = arith.constant 0 : i32
      %dma_wait3A_12 = tpu.memref_slice %arg3[%arg0, %arg1, %dma_wait3A, %dma_wait3A_11] : memref<2x16x158x128xi32, #tpu.memory_space<hbm>> -> memref<1x1x158x128xi32, #tpu.memory_space<hbm>>
      %dma_wait3A_13 = tpu.memref_squeeze %dma_wait3A_12 : memref<1x1x158x128xi32, #tpu.memory_space<hbm>> -> memref<158x128xi32, #tpu.memory_space<hbm>>
      %dma_wait3A_14 = arith.constant 0 : i32
      %dma_wait3A_15 = arith.constant 0 : i32
      %dma_wait3A_16 = tpu.memref_slice %arg3[%arg0, %arg1, %dma_wait3A_14, %dma_wait3A_15] : memref<2x16x158x128xi32, #tpu.memory_space<hbm>> -> memref<1x1x158x128xi32, #tpu.memory_space<hbm>>
      %dma_wait3A_17 = tpu.memref_squeeze %dma_wait3A_16 : memref<1x1x158x128xi32, #tpu.memory_space<hbm>> -> memref<158x128xi32, #tpu.memory_space<hbm>>
      tpu.wait_dma2 semaphore(%run_scoped3A : memref<!tpu.dma_semaphore, #tpu.memory_space<semaphore_mem>>) src(%dma_wait3A_17 : memref<158x128xi32, #tpu.memory_space<hbm>>) dst(%arg6 : memref<158x128xi32, #tpu.memory_space<vmem>>)
      tpu.yield
    }) : () -> ()
    %scan3A = arith.constant 0 : i32
    %scan3A_0 = arith.constant 2 : i32
    %scan3A_1 = arith.addi %scan3A, %scan3A_0 : i32
    %scan3A_2 = arith.constant 1 : i32
    scf.for %scan3A_4 = %scan3A to %scan3A_1 step %scan3A_2  : i32 {
      %mul3A = arith.constant 1 : i32
      %mul3A_5 = arith.muli %scan3A_4, %mul3A : i32
      %add3A = arith.constant 0 : i32
      %add3A_6 = arith.addi %add3A, %mul3A_5 : i32
      %scan3A_7 = arith.constant 0 : i32
      %scan3A_8 = arith.constant 128 : i32
      %scan3A_9 = arith.addi %scan3A_7, %scan3A_8 : i32
      %scan3A_10 = arith.constant 1 : i32
      scf.for %scan3A_38 = %scan3A_7 to %scan3A_9 step %scan3A_10  : i32 {
        %mul3A_39 = arith.constant 1 : i32
        %mul3A_40 = arith.muli %scan3A_38, %mul3A_39 : i32
        %add3A_41 = arith.constant 0 : i32
        %add3A_42 = arith.addi %add3A_41, %mul3A_40 : i32
        %broadcast_in_dim3A = arith.constant 0.000000e+00 : f32
        %broadcast_in_dim3A_43 = vector.broadcast %broadcast_in_dim3A : f32 to vector<16xf32>
        %swap3A = arith.index_cast %add3A_42 : i32 to index
        %swap3A_44 = arith.constant 0 : index
        %swap3A_45 = tpu.vector_load %arg8[%swap3A, %swap3A_44] {strides = array<i32>} : memref<128x128xf32, #tpu.memory_space<vmem>>, vector<1x16xf32>,
        %swap3A_46 = vector.shape_cast %swap3A_45 : vector<1x16xf32> to vector<16xf32>
        %swap3A_47 = vector.shape_cast %broadcast_in_dim3A_43 : vector<16xf32> to vector<1x16xf32>
        tpu.vector_store %arg8[%swap3A, %swap3A_44], %swap3A_47 {strides = array<i32>} : memref<128x128xf32, #tpu.memory_space<vmem>>, vector<1x16xf32>,
        %broadcast_in_dim3A_48 = arith.constant 0.000000e+00 : f32
        %broadcast_in_dim3A_49 = vector.broadcast %broadcast_in_dim3A_48 : f32 to vector<16xf32>
        %swap3A_50 = arith.index_cast %add3A_42 : i32 to index
        %swap3A_51 = arith.constant 16 : index
        %swap3A_52 = tpu.vector_load %arg8[%swap3A_50, %swap3A_51] {strides = array<i32>} : memref<128x128xf32, #tpu.memory_space<vmem>>, vector<1x16xf32>,
        %swap3A_53 = vector.shape_cast %swap3A_52 : vector<1x16xf32> to vector<16xf32>
        %swap3A_54 = vector.shape_cast %broadcast_in_dim3A_49 : vector<16xf32> to vector<1x16xf32>
        tpu.vector_store %arg8[%swap3A_50, %swap3A_51], %swap3A_54 {strides = array<i32>} : memref<128x128xf32, #tpu.memory_space<vmem>>, vector<1x16xf32>,
        %broadcast_in_dim3A_55 = arith.constant 0.000000e+00 : f32
        %broadcast_in_dim3A_56 = vector.broadcast %broadcast_in_dim3A_55 : f32 to vector<16xf32>
        %swap3A_57 = arith.index_cast %add3A_42 : i32 to index
        %swap3A_58 = arith.constant 32 : index
        %swap3A_59 = tpu.vector_load %arg8[%swap3A_57, %swap3A_58] {strides = array<i32>} : memref<128x128xf32, #tpu.memory_space<vmem>>, vector<1x16xf32>,
        %swap3A_60 = vector.shape_cast %swap3A_59 : vector<1x16xf32> to vector<16xf32>
        %swap3A_61 = vector.shape_cast %broadcast_in_dim3A_56 : vector<16xf32> to vector<1x16xf32>
        tpu.vector_store %arg8[%swap3A_57, %swap3A_58], %swap3A_61 {strides = array<i32>} : memref<128x128xf32, #tpu.memory_space<vmem>>, vector<1x16xf32>,
        %broadcast_in_dim3A_62 = arith.constant 0.000000e+00 : f32
        %broadcast_in_dim3A_63 = vector.broadcast %broadcast_in_dim3A_62 : f32 to vector<16xf32>
        %swap3A_64 = arith.index_cast %add3A_42 : i32 to index
        %swap3A_65 = arith.constant 48 : index
        %swap3A_66 = tpu.vector_load %arg8[%swap3A_64, %swap3A_65] {strides = array<i32>} : memref<128x128xf32, #tpu.memory_space<vmem>>, vector<1x16xf32>,
        %swap3A_67 = vector.shape_cast %swap3A_66 : vector<1x16xf32> to vector<16xf32>
        %swap3A_68 = vector.shape_cast %broadcast_in_dim3A_63 : vector<16xf32> to vector<1x16xf32>
        tpu.vector_store %arg8[%swap3A_64, %swap3A_65], %swap3A_68 {strides = array<i32>} : memref<128x128xf32, #tpu.memory_space<vmem>>, vector<1x16xf32>,
        %broadcast_in_dim3A_69 = arith.constant 0.000000e+00 : f32
        %broadcast_in_dim3A_70 = vector.broadcast %broadcast_in_dim3A_69 : f32 to vector<16xf32>
        %swap3A_71 = arith.index_cast %add3A_42 : i32 to index
        %swap3A_72 = arith.constant 64 : index
        %swap3A_73 = tpu.vector_load %arg8[%swap3A_71, %swap3A_72] {strides = array<i32>} : memref<128x128xf32, #tpu.memory_space<vmem>>, vector<1x16xf32>,
        %swap3A_74 = vector.shape_cast %swap3A_73 : vector<1x16xf32> to vector<16xf32>
        %swap3A_75 = vector.shape_cast %broadcast_in_dim3A_70 : vector<16xf32> to vector<1x16xf32>
        tpu.vector_store %arg8[%swap3A_71, %swap3A_72], %swap3A_75 {strides = array<i32>} : memref<128x128xf32, #tpu.memory_space<vmem>>, vector<1x16xf32>,
        %broadcast_in_dim3A_76 = arith.constant 0.000000e+00 : f32
        %broadcast_in_dim3A_77 = vector.broadcast %broadcast_in_dim3A_76 : f32 to vector<16xf32>
        %swap3A_78 = arith.index_cast %add3A_42 : i32 to index
        %swap3A_79 = arith.constant 80 : index
        %swap3A_80 = tpu.vector_load %arg8[%swap3A_78, %swap3A_79] {strides = array<i32>} : memref<128x128xf32, #tpu.memory_space<vmem>>, vector<1x16xf32>,
        %swap3A_81 = vector.shape_cast %swap3A_80 : vector<1x16xf32> to vector<16xf32>
        %swap3A_82 = vector.shape_cast %broadcast_in_dim3A_77 : vector<16xf32> to vector<1x16xf32>
        tpu.vector_store %arg8[%swap3A_78, %swap3A_79], %swap3A_82 {strides = array<i32>} : memref<128x128xf32, #tpu.memory_space<vmem>>, vector<1x16xf32>,
        %broadcast_in_dim3A_83 = arith.constant 0.000000e+00 : f32
        %broadcast_in_dim3A_84 = vector.broadcast %broadcast_in_dim3A_83 : f32 to vector<16xf32>
        %swap3A_85 = arith.index_cast %add3A_42 : i32 to index
        %swap3A_86 = arith.constant 96 : index
        %swap3A_87 = tpu.vector_load %arg8[%swap3A_85, %swap3A_86] {strides = array<i32>} : memref<128x128xf32, #tpu.memory_space<vmem>>, vector<1x16xf32>,
        %swap3A_88 = vector.shape_cast %swap3A_87 : vector<1x16xf32> to vector<16xf32>
        %swap3A_89 = vector.shape_cast %broadcast_in_dim3A_84 : vector<16xf32> to vector<1x16xf32>
        tpu.vector_store %arg8[%swap3A_85, %swap3A_86], %swap3A_89 {strides = array<i32>} : memref<128x128xf32, #tpu.memory_space<vmem>>, vector<1x16xf32>,
        %broadcast_in_dim3A_90 = arith.constant 0.000000e+00 : f32
        %broadcast_in_dim3A_91 = vector.broadcast %broadcast_in_dim3A_90 : f32 to vector<16xf32>
        %swap3A_92 = arith.index_cast %add3A_42 : i32 to index
        %swap3A_93 = arith.constant 112 : index
        %swap3A_94 = tpu.vector_load %arg8[%swap3A_92, %swap3A_93] {strides = array<i32>} : memref<128x128xf32, #tpu.memory_space<vmem>>, vector<1x16xf32>,
        %swap3A_95 = vector.shape_cast %swap3A_94 : vector<1x16xf32> to vector<16xf32>
        %swap3A_96 = vector.shape_cast %broadcast_in_dim3A_91 : vector<16xf32> to vector<1x16xf32>
        tpu.vector_store %arg8[%swap3A_92, %swap3A_93], %swap3A_96 {strides = array<i32>} : memref<128x128xf32, #tpu.memory_space<vmem>>, vector<1x16xf32>,
      }
      %scan3A_11 = arith.constant 128 : i32
      %mul3A_12 = arith.constant 336 : i32
      %mul3A_13 = arith.muli %arg1, %mul3A_12 : i32
      "tpu.region"() ({
        %run_scoped3A = tpu.sem_alloc : memref<!tpu.dma_semaphore, #tpu.memory_space<semaphore_mem>>
        %dma_start3A_38 = arith.constant 0 : i32
        %dma_start3A_39 = tpu.memref_slice %arg10[%mul3A_13, %dma_start3A_38] : memref<5376x128xf32, #tpu.memory_space<vmem_shared>> -> memref<128x128xf32, #tpu.memory_space<vmem_shared>>
        %dma_start3A_40 = arith.constant 0 : i32
        %dma_start3A_41 = tpu.memref_slice %arg10[%mul3A_13, %dma_start3A_40] : memref<5376x128xf32, #tpu.memory_space<vmem_shared>> -> memref<128x128xf32, #tpu.memory_space<vmem_shared>>
        tpu.enqueue_dma source(%arg8 : memref<128x128xf32, #tpu.memory_space<vmem>>) target(%dma_start3A_41 : memref<128x128xf32, #tpu.memory_space<vmem_shared>>) target_semaphore(%run_scoped3A : memref<!tpu.dma_semaphore, #tpu.memory_space<semaphore_mem>>)
        %dma_wait3A = arith.constant 0 : i32
        %dma_wait3A_42 = tpu.memref_slice %arg10[%mul3A_13, %dma_wait3A] : memref<5376x128xf32, #tpu.memory_space<vmem_shared>> -> memref<128x128xf32, #tpu.memory_space<vmem_shared>>
        %dma_wait3A_43 = arith.constant 0 : i32
        %dma_wait3A_44 = tpu.memref_slice %arg10[%mul3A_13, %dma_wait3A_43] : memref<5376x128xf32, #tpu.memory_space<vmem_shared>> -> memref<128x128xf32, #tpu.memory_space<vmem_shared>>
        tpu.wait_dma2 semaphore(%run_scoped3A : memref<!tpu.dma_semaphore, #tpu.memory_space<semaphore_mem>>) src(%arg8 : memref<128x128xf32, #tpu.memory_space<vmem>>) dst(%dma_wait3A_44 : memref<128x128xf32, #tpu.memory_space<vmem_shared>>)
        tpu.yield
      }) : () -> ()
      %add3A_14 = arith.constant 128 : i32
      %add3A_15 = arith.addi %mul3A_13, %add3A_14 : i32
      "tpu.region"() ({
        %run_scoped3A = tpu.sem_alloc : memref<!tpu.dma_semaphore, #tpu.memory_space<semaphore_mem>>
        %dma_start3A_38 = arith.constant 0 : i32
        %dma_start3A_39 = tpu.memref_slice %arg10[%add3A_15, %dma_start3A_38] : memref<5376x128xf32, #tpu.memory_space<vmem_shared>> -> memref<128x128xf32, #tpu.memory_space<vmem_shared>>
        %dma_start3A_40 = arith.constant 0 : i32
        %dma_start3A_41 = tpu.memref_slice %arg10[%add3A_15, %dma_start3A_40] : memref<5376x128xf32, #tpu.memory_space<vmem_shared>> -> memref<128x128xf32, #tpu.memory_space<vmem_shared>>
        tpu.enqueue_dma source(%arg8 : memref<128x128xf32, #tpu.memory_space<vmem>>) target(%dma_start3A_41 : memref<128x128xf32, #tpu.memory_space<vmem_shared>>) target_semaphore(%run_scoped3A : memref<!tpu.dma_semaphore, #tpu.memory_space<semaphore_mem>>)
        %dma_wait3A = arith.constant 0 : i32
        %dma_wait3A_42 = tpu.memref_slice %arg10[%add3A_15, %dma_wait3A] : memref<5376x128xf32, #tpu.memory_space<vmem_shared>> -> memref<128x128xf32, #tpu.memory_space<vmem_shared>>
        %dma_wait3A_43 = arith.constant 0 : i32
        %dma_wait3A_44 = tpu.memref_slice %arg10[%add3A_15, %dma_wait3A_43] : memref<5376x128xf32, #tpu.memory_space<vmem_shared>> -> memref<128x128xf32, #tpu.memory_space<vmem_shared>>
        tpu.wait_dma2 semaphore(%run_scoped3A : memref<!tpu.dma_semaphore, #tpu.memory_space<semaphore_mem>>) src(%arg8 : memref<128x128xf32, #tpu.memory_space<vmem>>) dst(%dma_wait3A_44 : memref<128x128xf32, #tpu.memory_space<vmem_shared>>)
        tpu.yield
      }) : () -> ()
      %add3A_16 = arith.constant 256 : i32
      %add3A_17 = arith.addi %mul3A_13, %add3A_16 : i32
      "tpu.region"() ({
        %run_scoped3A = tpu.sem_alloc : memref<!tpu.dma_semaphore, #tpu.memory_space<semaphore_mem>>
        %dma_start3A_38 = arith.constant 0 : i32
        %dma_start3A_39 = arith.constant 0 : i32
        %dma_start3A_40 = tpu.memref_slice %arg8[%dma_start3A_38, %dma_start3A_39] : memref<128x128xf32, #tpu.memory_space<vmem>> -> memref<80x128xf32, #tpu.memory_space<vmem>>
        %dma_start3A_41 = arith.constant 0 : i32
        %dma_start3A_42 = tpu.memref_slice %arg10[%add3A_17, %dma_start3A_41] : memref<5376x128xf32, #tpu.memory_space<vmem_shared>> -> memref<80x128xf32, #tpu.memory_space<vmem_shared>>
        %dma_start3A_43 = arith.constant 0 : i32
        %dma_start3A_44 = tpu.memref_slice %arg10[%add3A_17, %dma_start3A_43] : memref<5376x128xf32, #tpu.memory_space<vmem_shared>> -> memref<80x128xf32, #tpu.memory_space<vmem_shared>>
        %dma_start3A_45 = arith.constant 0 : i32
        %dma_start3A_46 = arith.constant 0 : i32
        %dma_start3A_47 = tpu.memref_slice %arg8[%dma_start3A_45, %dma_start3A_46] : memref<128x128xf32, #tpu.memory_space<vmem>> -> memref<80x128xf32, #tpu.memory_space<vmem>>
        tpu.enqueue_dma source(%dma_start3A_47 : memref<80x128xf32, #tpu.memory_space<vmem>>) target(%dma_start3A_44 : memref<80x128xf32, #tpu.memory_space<vmem_shared>>) target_semaphore(%run_scoped3A : memref<!tpu.dma_semaphore, #tpu.memory_space<semaphore_mem>>)
        %dma_wait3A = arith.constant 0 : i32
        %dma_wait3A_48 = arith.constant 0 : i32
        %dma_wait3A_49 = tpu.memref_slice %arg8[%dma_wait3A, %dma_wait3A_48] : memref<128x128xf32, #tpu.memory_space<vmem>> -> memref<80x128xf32, #tpu.memory_space<vmem>>
        %dma_wait3A_50 = arith.constant 0 : i32
        %dma_wait3A_51 = tpu.memref_slice %arg10[%add3A_17, %dma_wait3A_50] : memref<5376x128xf32, #tpu.memory_space<vmem_shared>> -> memref<80x128xf32, #tpu.memory_space<vmem_shared>>
        %dma_wait3A_52 = arith.constant 0 : i32
        %dma_wait3A_53 = tpu.memref_slice %arg10[%add3A_17, %dma_wait3A_52] : memref<5376x128xf32, #tpu.memory_space<vmem_shared>> -> memref<80x128xf32, #tpu.memory_space<vmem_shared>>
        %dma_wait3A_54 = arith.constant 0 : i32
        %dma_wait3A_55 = arith.constant 0 : i32
        %dma_wait3A_56 = tpu.memref_slice %arg8[%dma_wait3A_54, %dma_wait3A_55] : memref<128x128xf32, #tpu.memory_space<vmem>> -> memref<80x128xf32, #tpu.memory_space<vmem>>
        tpu.wait_dma2 semaphore(%run_scoped3A : memref<!tpu.dma_semaphore, #tpu.memory_space<semaphore_mem>>) src(%dma_wait3A_56 : memref<80x128xf32, #tpu.memory_space<vmem>>) dst(%dma_wait3A_53 : memref<80x128xf32, #tpu.memory_space<vmem_shared>>)
        tpu.yield
      }) : () -> ()
      "tpu.region"() ({
        %run_scoped3A = tpu.sem_alloc : memref<!tpu.dma_semaphore, #tpu.memory_space<semaphore_mem>>
        %dma_start3A_38 = arith.constant 0 : i32
        %dma_start3A_39 = arith.constant 0 : i32
        %dma_start3A_40 = tpu.memref_slice %arg4[%add3A_6, %arg1, %dma_start3A_38, %dma_start3A_39] : memref<2x16x158x128xi32, #tpu.memory_space<hbm>> -> memref<1x1x158x128xi32, #tpu.memory_space<hbm>>
        %dma_start3A_41 = tpu.memref_squeeze %dma_start3A_40 : memref<1x1x158x128xi32, #tpu.memory_space<hbm>> -> memref<158x128xi32, #tpu.memory_space<hbm>>
        %dma_start3A_42 = arith.constant 0 : i32
        %dma_start3A_43 = arith.constant 0 : i32
        %dma_start3A_44 = tpu.memref_slice %arg4[%add3A_6, %arg1, %dma_start3A_42, %dma_start3A_43] : memref<2x16x158x128xi32, #tpu.memory_space<hbm>> -> memref<1x1x158x128xi32, #tpu.memory_space<hbm>>
        %dma_start3A_45 = tpu.memref_squeeze %dma_start3A_44 : memref<1x1x158x128xi32, #tpu.memory_space<hbm>> -> memref<158x128xi32, #tpu.memory_space<hbm>>
        tpu.enqueue_dma source(%dma_start3A_45 : memref<158x128xi32, #tpu.memory_space<hbm>>) target(%arg7 : memref<158x128xi32, #tpu.memory_space<vmem>>) target_semaphore(%run_scoped3A : memref<!tpu.dma_semaphore, #tpu.memory_space<semaphore_mem>>)
        %dma_wait3A = arith.constant 0 : i32
        %dma_wait3A_46 = arith.constant 0 : i32
        %dma_wait3A_47 = tpu.memref_slice %arg4[%add3A_6, %arg1, %dma_wait3A, %dma_wait3A_46] : memref<2x16x158x128xi32, #tpu.memory_space<hbm>> -> memref<1x1x158x128xi32, #tpu.memory_space<hbm>>
        %dma_wait3A_48 = tpu.memref_squeeze %dma_wait3A_47 : memref<1x1x158x128xi32, #tpu.memory_space<hbm>> -> memref<158x128xi32, #tpu.memory_space<hbm>>
        %dma_wait3A_49 = arith.constant 0 : i32
        %dma_wait3A_50 = arith.constant 0 : i32
        %dma_wait3A_51 = tpu.memref_slice %arg4[%add3A_6, %arg1, %dma_wait3A_49, %dma_wait3A_50] : memref<2x16x158x128xi32, #tpu.memory_space<hbm>> -> memref<1x1x158x128xi32, #tpu.memory_space<hbm>>
        %dma_wait3A_52 = tpu.memref_squeeze %dma_wait3A_51 : memref<1x1x158x128xi32, #tpu.memory_space<hbm>> -> memref<158x128xi32, #tpu.memory_space<hbm>>
        tpu.wait_dma2 semaphore(%run_scoped3A : memref<!tpu.dma_semaphore, #tpu.memory_space<semaphore_mem>>) src(%dma_wait3A_52 : memref<158x128xi32, #tpu.memory_space<hbm>>) dst(%arg7 : memref<158x128xi32, #tpu.memory_space<vmem>>)
        tpu.yield
      }) : () -> ()
      %barrier3A = arith.constant 0 : index
      tpu.barrier barrier_id(%barrier3A)
      %dma_start3A = arith.constant 0 : i32
      %dma_start3A_18 = arith.constant 0 : i32
      %dma_start3A_19 = tpu.memref_slice %arg6[%dma_start3A, %dma_start3A_18] : memref<158x128xi32, #tpu.memory_space<vmem>> -> memref<1x128xi32, #tpu.memory_space<vmem>>
      %dma_start3A_20 = tpu.memref_squeeze %dma_start3A_19 : memref<1x128xi32, #tpu.memory_space<vmem>> -> memref<128xi32, #tpu.memory_space<vmem>>
      %dma_start3A_21 = arith.constant 0 : i32
      %dma_start3A_22 = arith.constant 0 : i32
      %dma_start3A_23 = tpu.memref_slice %arg2[%dma_start3A_21, %dma_start3A_22] : memref<20480x128xf32, #tpu.memory_space<hbm>> -> memref<20480x128xf32, #tpu.memory_space<hbm>>
      tpu.enqueue_indirect_dma source(%dma_start3A_23 : memref<20480x128xf32, #tpu.memory_space<hbm>>) target(%arg8 : memref<128x128xf32, #tpu.memory_space<vmem>>) offsets(%dma_start3A_20 : memref<128xi32, #tpu.memory_space<vmem>>) semaphore(%arg11 : memref<!tpu.dma_semaphore, #tpu.memory_space<semaphore_mem>>)
      %scan3A_24 = arith.constant 0 : i32
      %scan3A_25 = arith.constant 79 : i32
      %scan3A_26 = arith.addi %scan3A_24, %scan3A_25 : i32
      %scan3A_27 = arith.constant 1 : i32
      scf.for %scan3A_38 = %scan3A_24 to %scan3A_26 step %scan3A_27  : i32 {
        %mul3A_39 = arith.constant 1 : i32
        %mul3A_40 = arith.muli %scan3A_38, %mul3A_39 : i32
        %add3A_41 = arith.constant 0 : i32
        %add3A_42 = arith.addi %add3A_41, %mul3A_40 : i32
        %mul3A_43 = arith.constant 2 : i32
        %mul3A_44 = arith.muli %mul3A_43, %add3A_42 : i32
        %add3A_45 = arith.constant 1 : i32
        %add3A_46 = arith.addi %mul3A_44, %add3A_45 : i32
        %dma_start3A_47 = arith.constant 0 : i32
        %dma_start3A_48 = tpu.memref_slice %arg6[%add3A_46, %dma_start3A_47] : memref<158x128xi32, #tpu.memory_space<vmem>> -> memref<1x128xi32, #tpu.memory_space<vmem>>
        %dma_start3A_49 = tpu.memref_squeeze %dma_start3A_48 : memref<1x128xi32, #tpu.memory_space<vmem>> -> memref<128xi32, #tpu.memory_space<vmem>>
        %dma_start3A_50 = arith.constant 0 : i32
        %dma_start3A_51 = arith.constant 0 : i32
        %dma_start3A_52 = tpu.memref_slice %arg2[%dma_start3A_50, %dma_start3A_51] : memref<20480x128xf32, #tpu.memory_space<hbm>> -> memref<20480x128xf32, #tpu.memory_space<hbm>>
        tpu.enqueue_indirect_dma source(%dma_start3A_52 : memref<20480x128xf32, #tpu.memory_space<hbm>>) target(%arg9 : memref<128x128xf32, #tpu.memory_space<vmem>>) offsets(%dma_start3A_49 : memref<128xi32, #tpu.memory_space<vmem>>) semaphore(%arg12 : memref<!tpu.dma_semaphore, #tpu.memory_space<semaphore_mem>>)
        %dma_wait3A = arith.constant 0 : i32
        %dma_wait3A_53 = tpu.memref_slice %arg6[%mul3A_44, %dma_wait3A] : memref<158x128xi32, #tpu.memory_space<vmem>> -> memref<1x128xi32, #tpu.memory_space<vmem>>
        %dma_wait3A_54 = tpu.memref_squeeze %dma_wait3A_53 : memref<1x128xi32, #tpu.memory_space<vmem>> -> memref<128xi32, #tpu.memory_space<vmem>>
        %dma_wait3A_55 = arith.constant 0 : i32
        %dma_wait3A_56 = arith.constant 0 : i32
        %dma_wait3A_57 = tpu.memref_slice %arg2[%dma_wait3A_55, %dma_wait3A_56] : memref<20480x128xf32, #tpu.memory_space<hbm>> -> memref<20480x128xf32, #tpu.memory_space<hbm>>
        tpu.wait_indirect_dma semaphore(%arg11 : memref<!tpu.dma_semaphore, #tpu.memory_space<semaphore_mem>>) src(%dma_wait3A_57 : memref<20480x128xf32, #tpu.memory_space<hbm>>) dst(%arg8 : memref<128x128xf32, #tpu.memory_space<vmem>>)
        "tpu.region"() ({
          %run_scoped3A = tpu.sem_alloc : memref<!tpu.dma_semaphore, #tpu.memory_space<semaphore_mem>>
          %dma_start3A_72 = arith.constant 0 : i32
          %dma_start3A_73 = tpu.memref_slice %arg7[%mul3A_44, %dma_start3A_72] : memref<158x128xi32, #tpu.memory_space<vmem>> -> memref<1x128xi32, #tpu.memory_space<vmem>>
          %dma_start3A_74 = tpu.memref_squeeze %dma_start3A_73 : memref<1x128xi32, #tpu.memory_space<vmem>> -> memref<128xi32, #tpu.memory_space<vmem>>
          %dma_start3A_75 = arith.constant 0 : i32
          %dma_start3A_76 = arith.constant 0 : i32
          %dma_start3A_77 = tpu.memref_slice %arg10[%dma_start3A_75, %dma_start3A_76] : memref<5376x128xf32, #tpu.memory_space<vmem_shared>> -> memref<5376x128xf32, #tpu.memory_space<vmem_shared>>
          tpu.enqueue_indirect_dma source(%arg8 : memref<128x128xf32, #tpu.memory_space<vmem>>) target(%dma_start3A_77 : memref<5376x128xf32, #tpu.memory_space<vmem_shared>>) offsets(%dma_start3A_74 : memref<128xi32, #tpu.memory_space<vmem>>) semaphore(%run_scoped3A : memref<!tpu.dma_semaphore, #tpu.memory_space<semaphore_mem>>) {add = true}
          %dma_wait3A_78 = arith.constant 0 : i32
          %dma_wait3A_79 = tpu.memref_slice %arg7[%mul3A_44, %dma_wait3A_78] : memref<158x128xi32, #tpu.memory_space<vmem>> -> memref<1x128xi32, #tpu.memory_space<vmem>>
          %dma_wait3A_80 = tpu.memref_squeeze %dma_wait3A_79 : memref<1x128xi32, #tpu.memory_space<vmem>> -> memref<128xi32, #tpu.memory_space<vmem>>
          %dma_wait3A_81 = arith.constant 0 : i32
          %dma_wait3A_82 = arith.constant 0 : i32
          %dma_wait3A_83 = tpu.memref_slice %arg10[%dma_wait3A_81, %dma_wait3A_82] : memref<5376x128xf32, #tpu.memory_space<vmem_shared>> -> memref<5376x128xf32, #tpu.memory_space<vmem_shared>>
          tpu.wait_indirect_dma semaphore(%run_scoped3A : memref<!tpu.dma_semaphore, #tpu.memory_space<semaphore_mem>>) src(%arg8 : memref<128x128xf32, #tpu.memory_space<vmem>>) dst(%dma_wait3A_83 : memref<5376x128xf32, #tpu.memory_space<vmem_shared>>)
          tpu.yield
        }) : () -> ()
        %add3A_58 = arith.constant 2 : i32
        %add3A_59 = arith.addi %mul3A_44, %add3A_58 : i32
        %lt3A = arith.constant 158 : i32
        %lt3A_60 = arith.cmpi slt, %add3A_59, %lt3A : i32
        %convert_element_type3A = arith.extui %lt3A_60 : i1 to i32
        %cond3A = arith.constant 0 : i32
        %cond3A_61 = arith.cmpi ne, %convert_element_type3A, %cond3A : i32
        scf.if %cond3A_61 {
          %add3A_72 = arith.constant 2 : i32
          %add3A_73 = arith.addi %mul3A_44, %add3A_72 : i32
          %dma_start3A_74 = arith.constant 0 : i32
          %dma_start3A_75 = tpu.memref_slice %arg6[%add3A_73, %dma_start3A_74] : memref<158x128xi32, #tpu.memory_space<vmem>> -> memref<1x128xi32, #tpu.memory_space<vmem>>
          %dma_start3A_76 = tpu.memref_squeeze %dma_start3A_75 : memref<1x128xi32, #tpu.memory_space<vmem>> -> memref<128xi32, #tpu.memory_space<vmem>>
          %dma_start3A_77 = arith.constant 0 : i32
          %dma_start3A_78 = arith.constant 0 : i32
          %dma_start3A_79 = tpu.memref_slice %arg2[%dma_start3A_77, %dma_start3A_78] : memref<20480x128xf32, #tpu.memory_space<hbm>> -> memref<20480x128xf32, #tpu.memory_space<hbm>>
          tpu.enqueue_indirect_dma source(%dma_start3A_79 : memref<20480x128xf32, #tpu.memory_space<hbm>>) target(%arg8 : memref<128x128xf32, #tpu.memory_space<vmem>>) offsets(%dma_start3A_76 : memref<128xi32, #tpu.memory_space<vmem>>) semaphore(%arg11 : memref<!tpu.dma_semaphore, #tpu.memory_space<semaphore_mem>>)
        } else {
        }
        %add3A_62 = arith.constant 1 : i32
        %add3A_63 = arith.addi %mul3A_44, %add3A_62 : i32
        %dma_wait3A_64 = arith.constant 0 : i32
        %dma_wait3A_65 = tpu.memref_slice %arg6[%add3A_63, %dma_wait3A_64] : memref<158x128xi32, #tpu.memory_space<vmem>> -> memref<1x128xi32, #tpu.memory_space<vmem>>
        %dma_wait3A_66 = tpu.memref_squeeze %dma_wait3A_65 : memref<1x128xi32, #tpu.memory_space<vmem>> -> memref<128xi32, #tpu.memory_space<vmem>>
        %dma_wait3A_67 = arith.constant 0 : i32
        %dma_wait3A_68 = arith.constant 0 : i32
        %dma_wait3A_69 = tpu.memref_slice %arg2[%dma_wait3A_67, %dma_wait3A_68] : memref<20480x128xf32, #tpu.memory_space<hbm>> -> memref<20480x128xf32, #tpu.memory_space<hbm>>
        tpu.wait_indirect_dma semaphore(%arg12 : memref<!tpu.dma_semaphore, #tpu.memory_space<semaphore_mem>>) src(%dma_wait3A_69 : memref<20480x128xf32, #tpu.memory_space<hbm>>) dst(%arg9 : memref<128x128xf32, #tpu.memory_space<vmem>>)
        %add3A_70 = arith.constant 1 : i32
        %add3A_71 = arith.addi %mul3A_44, %add3A_70 : i32
        "tpu.region"() ({
          %run_scoped3A = tpu.sem_alloc : memref<!tpu.dma_semaphore, #tpu.memory_space<semaphore_mem>>
          %dma_start3A_72 = arith.constant 0 : i32
          %dma_start3A_73 = tpu.memref_slice %arg7[%add3A_71, %dma_start3A_72] : memref<158x128xi32, #tpu.memory_space<vmem>> -> memref<1x128xi32, #tpu.memory_space<vmem>>
          %dma_start3A_74 = tpu.memref_squeeze %dma_start3A_73 : memref<1x128xi32, #tpu.memory_space<vmem>> -> memref<128xi32, #tpu.memory_space<vmem>>
          %dma_start3A_75 = arith.constant 0 : i32
          %dma_start3A_76 = arith.constant 0 : i32
          %dma_start3A_77 = tpu.memref_slice %arg10[%dma_start3A_75, %dma_start3A_76] : memref<5376x128xf32, #tpu.memory_space<vmem_shared>> -> memref<5376x128xf32, #tpu.memory_space<vmem_shared>>
          tpu.enqueue_indirect_dma source(%arg9 : memref<128x128xf32, #tpu.memory_space<vmem>>) target(%dma_start3A_77 : memref<5376x128xf32, #tpu.memory_space<vmem_shared>>) offsets(%dma_start3A_74 : memref<128xi32, #tpu.memory_space<vmem>>) semaphore(%run_scoped3A : memref<!tpu.dma_semaphore, #tpu.memory_space<semaphore_mem>>) {add = true}
          %dma_wait3A_78 = arith.constant 0 : i32
          %dma_wait3A_79 = tpu.memref_slice %arg7[%add3A_71, %dma_wait3A_78] : memref<158x128xi32, #tpu.memory_space<vmem>> -> memref<1x128xi32, #tpu.memory_space<vmem>>
          %dma_wait3A_80 = tpu.memref_squeeze %dma_wait3A_79 : memref<1x128xi32, #tpu.memory_space<vmem>> -> memref<128xi32, #tpu.memory_space<vmem>>
          %dma_wait3A_81 = arith.constant 0 : i32
          %dma_wait3A_82 = arith.constant 0 : i32
          %dma_wait3A_83 = tpu.memref_slice %arg10[%dma_wait3A_81, %dma_wait3A_82] : memref<5376x128xf32, #tpu.memory_space<vmem_shared>> -> memref<5376x128xf32, #tpu.memory_space<vmem_shared>>
          tpu.wait_indirect_dma semaphore(%run_scoped3A : memref<!tpu.dma_semaphore, #tpu.memory_space<semaphore_mem>>) src(%arg9 : memref<128x128xf32, #tpu.memory_space<vmem>>) dst(%dma_wait3A_83 : memref<5376x128xf32, #tpu.memory_space<vmem_shared>>)
          tpu.yield
        }) : () -> ()
      }
      %scan3A_28 = arith.constant 79 : i32
      %barrier3A_29 = arith.constant 0 : index
      tpu.barrier barrier_id(%barrier3A_29)
      %mul3A_30 = arith.constant 320 : i32
      %mul3A_31 = arith.muli %arg1, %mul3A_30 : i32
      %mul3A_32 = arith.constant 5120 : i32
      %mul3A_33 = arith.muli %add3A_6, %mul3A_32 : i32
      %mul3A_34 = arith.constant 320 : i32
      %mul3A_35 = arith.muli %arg1, %mul3A_34 : i32
      %add3A_36 = arith.addi %mul3A_33, %mul3A_35 : i32
      "tpu.region"() ({
        %run_scoped3A = tpu.sem_alloc : memref<!tpu.dma_semaphore, #tpu.memory_space<semaphore_mem>>
        %dma_start3A_38 = arith.constant 0 : i32
        %dma_start3A_39 = tpu.memref_slice %arg5[%arg0, %add3A_36, %dma_start3A_38] : memref<2x10240x128xf32, #tpu.memory_space<hbm>> -> memref<1x320x128xf32, #tpu.memory_space<hbm>>
        %dma_start3A_40 = tpu.memref_squeeze %dma_start3A_39 : memref<1x320x128xf32, #tpu.memory_space<hbm>> -> memref<320x128xf32, #tpu.memory_space<hbm>>
        %dma_start3A_41 = arith.constant 0 : i32
        %dma_start3A_42 = tpu.memref_slice %arg10[%mul3A_31, %dma_start3A_41] : memref<5376x128xf32, #tpu.memory_space<vmem_shared>> -> memref<320x128xf32, #tpu.memory_space<vmem_shared>>
        tpu.enqueue_dma source(%dma_start3A_42 : memref<320x128xf32, #tpu.memory_space<vmem_shared>>) target(%dma_start3A_40 : memref<320x128xf32, #tpu.memory_space<hbm>>) target_semaphore(%run_scoped3A : memref<!tpu.dma_semaphore, #tpu.memory_space<semaphore_mem>>)
        %dma_wait3A = arith.constant 0 : i32
        %dma_wait3A_43 = tpu.memref_slice %arg5[%arg0, %add3A_36, %dma_wait3A] : memref<2x10240x128xf32, #tpu.memory_space<hbm>> -> memref<1x320x128xf32, #tpu.memory_space<hbm>>
        %dma_wait3A_44 = tpu.memref_squeeze %dma_wait3A_43 : memref<1x320x128xf32, #tpu.memory_space<hbm>> -> memref<320x128xf32, #tpu.memory_space<hbm>>
        %dma_wait3A_45 = arith.constant 0 : i32
        %dma_wait3A_46 = tpu.memref_slice %arg10[%mul3A_31, %dma_wait3A_45] : memref<5376x128xf32, #tpu.memory_space<vmem_shared>> -> memref<320x128xf32, #tpu.memory_space<vmem_shared>>
        tpu.wait_dma2 semaphore(%run_scoped3A : memref<!tpu.dma_semaphore, #tpu.memory_space<semaphore_mem>>) src(%dma_wait3A_46 : memref<320x128xf32, #tpu.memory_space<vmem_shared>>) dst(%dma_wait3A_44 : memref<320x128xf32, #tpu.memory_space<hbm>>)
        tpu.yield
      }) : () -> ()
      %barrier3A_37 = arith.constant 0 : index
      tpu.barrier barrier_id(%barrier3A_37)
    }
    %scan3A_3 = arith.constant 2 : i32
    return
  }
}

#map = affine_map<(d0, d1) -> (0, 0)>
#map1 = affine_map<(d0, d1) -> (0, 0, 0)>
module attributes {stable_mosaic.version = 14 : i64} {
  func.func @_emb_deg_body(%arg0: i32, %arg1: i32, %arg2: memref<512x128xf32, #tpu.memory_space<hbm>>, %arg3: memref<32x3x128xi32, #tpu.memory_space<hbm>>, %arg4: memref<32x10000xi32, #tpu.memory_space<hbm>>, %arg5: memref<12288x128xf32, #tpu.memory_space<hbm>>, %arg6: memref<32x10240xf32, #tpu.memory_space<hbm>>, %arg7: memref<3x128xi32, #tpu.memory_space<vmem>>, %arg8: memref<128x128xf32, #tpu.memory_space<vmem>>, %arg9: memref<10000xi32, #tpu.memory_space<vmem>>, %arg10: memref<10240xf32, #tpu.memory_space<vmem>>, %arg11: memref<!tpu.dma_semaphore, #tpu.memory_space<semaphore_mem>>) attributes {dimension_semantics = [#tpu.dimension_semantics<core_parallel>, #tpu.dimension_semantics<subcore_parallel>], iteration_bounds = array<i64: 2, 16>, scalar_prefetch = 0 : i64, scratch_operands = 5 : i64, tpu.core_type = #tpu.core_type<sc_vector_subcore>, window_params = [{transform_indices = #map}, {transform_indices = #map1}, {transform_indices = #map}, {transform_indices = #map}, {transform_indices = #map}]} {
    %mul3A = arith.constant 2 : i32
    %mul3A_0 = arith.muli %arg1, %mul3A : i32
    %add3A = arith.addi %mul3A_0, %arg0 : i32
    %scan3A = arith.constant 0 : i32
    %scan3A_1 = arith.constant 640 : i32
    %scan3A_2 = arith.addi %scan3A, %scan3A_1 : i32
    %scan3A_3 = arith.constant 1 : i32
    scf.for %scan3A_15 = %scan3A to %scan3A_2 step %scan3A_3  : i32 {
      %mul3A_16 = arith.constant 1 : i32
      %mul3A_17 = arith.muli %scan3A_15, %mul3A_16 : i32
      %add3A_18 = arith.constant 0 : i32
      %add3A_19 = arith.addi %add3A_18, %mul3A_17 : i32
      %broadcast_in_dim3A = arith.constant 0.000000e+00 : f32
      %broadcast_in_dim3A_20 = vector.broadcast %broadcast_in_dim3A : f32 to vector<16xf32>
      %mul3A_21 = arith.constant 16 : i32
      %mul3A_22 = arith.muli %add3A_19, %mul3A_21 : i32
      %swap3A = arith.index_cast %mul3A_22 : i32 to index
      %swap3A_23 = tpu.vector_load %arg10[%swap3A] {strides = array<i32>} : memref<10240xf32, #tpu.memory_space<vmem>>, vector<16xf32>,
      tpu.vector_store %arg10[%swap3A], %broadcast_in_dim3A_20 {strides = array<i32>} : memref<10240xf32, #tpu.memory_space<vmem>>, vector<16xf32>,
    }
    %scan3A_4 = arith.constant 640 : i32
    "tpu.region"() ({
      %run_scoped3A = tpu.sem_alloc : memref<!tpu.dma_semaphore, #tpu.memory_space<semaphore_mem>>
      %dma_start3A = arith.constant 0 : i32
      %dma_start3A_15 = arith.constant 0 : i32
      %dma_start3A_16 = tpu.memref_slice %arg3[%add3A, %dma_start3A, %dma_start3A_15] : memref<32x3x128xi32, #tpu.memory_space<hbm>> -> memref<1x3x128xi32, #tpu.memory_space<hbm>>
      %dma_start3A_17 = tpu.memref_squeeze %dma_start3A_16 : memref<1x3x128xi32, #tpu.memory_space<hbm>> -> memref<3x128xi32, #tpu.memory_space<hbm>>
      %dma_start3A_18 = arith.constant 0 : i32
      %dma_start3A_19 = arith.constant 0 : i32
      %dma_start3A_20 = tpu.memref_slice %arg3[%add3A, %dma_start3A_18, %dma_start3A_19] : memref<32x3x128xi32, #tpu.memory_space<hbm>> -> memref<1x3x128xi32, #tpu.memory_space<hbm>>
      %dma_start3A_21 = tpu.memref_squeeze %dma_start3A_20 : memref<1x3x128xi32, #tpu.memory_space<hbm>> -> memref<3x128xi32, #tpu.memory_space<hbm>>
      tpu.enqueue_dma source(%dma_start3A_21 : memref<3x128xi32, #tpu.memory_space<hbm>>) target(%arg7 : memref<3x128xi32, #tpu.memory_space<vmem>>) target_semaphore(%run_scoped3A : memref<!tpu.dma_semaphore, #tpu.memory_space<semaphore_mem>>)
      %dma_wait3A = arith.constant 0 : i32
      %dma_wait3A_22 = arith.constant 0 : i32
      %dma_wait3A_23 = tpu.memref_slice %arg3[%add3A, %dma_wait3A, %dma_wait3A_22] : memref<32x3x128xi32, #tpu.memory_space<hbm>> -> memref<1x3x128xi32, #tpu.memory_space<hbm>>
      %dma_wait3A_24 = tpu.memref_squeeze %dma_wait3A_23 : memref<1x3x128xi32, #tpu.memory_space<hbm>> -> memref<3x128xi32, #tpu.memory_space<hbm>>
      %dma_wait3A_25 = arith.constant 0 : i32
      %dma_wait3A_26 = arith.constant 0 : i32
      %dma_wait3A_27 = tpu.memref_slice %arg3[%add3A, %dma_wait3A_25, %dma_wait3A_26] : memref<32x3x128xi32, #tpu.memory_space<hbm>> -> memref<1x3x128xi32, #tpu.memory_space<hbm>>
      %dma_wait3A_28 = tpu.memref_squeeze %dma_wait3A_27 : memref<1x3x128xi32, #tpu.memory_space<hbm>> -> memref<3x128xi32, #tpu.memory_space<hbm>>
      tpu.wait_dma2 semaphore(%run_scoped3A : memref<!tpu.dma_semaphore, #tpu.memory_space<semaphore_mem>>) src(%dma_wait3A_28 : memref<3x128xi32, #tpu.memory_space<hbm>>) dst(%arg7 : memref<3x128xi32, #tpu.memory_space<vmem>>)
      tpu.yield
    }) : () -> ()
    "tpu.region"() ({
      %run_scoped3A = tpu.sem_alloc : memref<!tpu.dma_semaphore, #tpu.memory_space<semaphore_mem>>
      %dma_start3A = arith.constant 0 : i32
      %dma_start3A_15 = tpu.memref_slice %arg4[%add3A, %dma_start3A] : memref<32x10000xi32, #tpu.memory_space<hbm>> -> memref<1x10000xi32, #tpu.memory_space<hbm>>
      %dma_start3A_16 = tpu.memref_squeeze %dma_start3A_15 : memref<1x10000xi32, #tpu.memory_space<hbm>> -> memref<10000xi32, #tpu.memory_space<hbm>>
      %dma_start3A_17 = arith.constant 0 : i32
      %dma_start3A_18 = tpu.memref_slice %arg4[%add3A, %dma_start3A_17] : memref<32x10000xi32, #tpu.memory_space<hbm>> -> memref<1x10000xi32, #tpu.memory_space<hbm>>
      %dma_start3A_19 = tpu.memref_squeeze %dma_start3A_18 : memref<1x10000xi32, #tpu.memory_space<hbm>> -> memref<10000xi32, #tpu.memory_space<hbm>>
      tpu.enqueue_dma source(%dma_start3A_19 : memref<10000xi32, #tpu.memory_space<hbm>>) target(%arg9 : memref<10000xi32, #tpu.memory_space<vmem>>) target_semaphore(%run_scoped3A : memref<!tpu.dma_semaphore, #tpu.memory_space<semaphore_mem>>)
      %dma_wait3A = arith.constant 0 : i32
      %dma_wait3A_20 = tpu.memref_slice %arg4[%add3A, %dma_wait3A] : memref<32x10000xi32, #tpu.memory_space<hbm>> -> memref<1x10000xi32, #tpu.memory_space<hbm>>
      %dma_wait3A_21 = tpu.memref_squeeze %dma_wait3A_20 : memref<1x10000xi32, #tpu.memory_space<hbm>> -> memref<10000xi32, #tpu.memory_space<hbm>>
      %dma_wait3A_22 = arith.constant 0 : i32
      %dma_wait3A_23 = tpu.memref_slice %arg4[%add3A, %dma_wait3A_22] : memref<32x10000xi32, #tpu.memory_space<hbm>> -> memref<1x10000xi32, #tpu.memory_space<hbm>>
      %dma_wait3A_24 = tpu.memref_squeeze %dma_wait3A_23 : memref<1x10000xi32, #tpu.memory_space<hbm>> -> memref<10000xi32, #tpu.memory_space<hbm>>
      tpu.wait_dma2 semaphore(%run_scoped3A : memref<!tpu.dma_semaphore, #tpu.memory_space<semaphore_mem>>) src(%dma_wait3A_24 : memref<10000xi32, #tpu.memory_space<hbm>>) dst(%arg9 : memref<10000xi32, #tpu.memory_space<vmem>>)
      tpu.yield
    }) : () -> ()
    %scan3A_5 = arith.constant 0 : i32
    %scan3A_6 = arith.constant 3 : i32
    %scan3A_7 = arith.addi %scan3A_5, %scan3A_6 : i32
    %scan3A_8 = arith.constant 1 : i32
    scf.for %scan3A_15 = %scan3A_5 to %scan3A_7 step %scan3A_8  : i32 {
      %mul3A_16 = arith.constant 1 : i32
      %mul3A_17 = arith.muli %scan3A_15, %mul3A_16 : i32
      %add3A_18 = arith.constant 0 : i32
      %add3A_19 = arith.addi %add3A_18, %mul3A_17 : i32
      %dma_start3A = arith.constant 0 : i32
      %dma_start3A_20 = tpu.memref_slice %arg7[%add3A_19, %dma_start3A] : memref<3x128xi32, #tpu.memory_space<vmem>> -> memref<1x128xi32, #tpu.memory_space<vmem>>
      %dma_start3A_21 = tpu.memref_squeeze %dma_start3A_20 : memref<1x128xi32, #tpu.memory_space<vmem>> -> memref<128xi32, #tpu.memory_space<vmem>>
      %dma_start3A_22 = arith.constant 0 : i32
      %dma_start3A_23 = arith.constant 0 : i32
      %dma_start3A_24 = tpu.memref_slice %arg2[%dma_start3A_22, %dma_start3A_23] : memref<512x128xf32, #tpu.memory_space<hbm>> -> memref<512x128xf32, #tpu.memory_space<hbm>>
      tpu.enqueue_indirect_dma source(%dma_start3A_24 : memref<512x128xf32, #tpu.memory_space<hbm>>) target(%arg8 : memref<128x128xf32, #tpu.memory_space<vmem>>) offsets(%dma_start3A_21 : memref<128xi32, #tpu.memory_space<vmem>>) semaphore(%arg11 : memref<!tpu.dma_semaphore, #tpu.memory_space<semaphore_mem>>)
      %dma_wait3A = arith.constant 0 : i32
      %dma_wait3A_25 = tpu.memref_slice %arg7[%add3A_19, %dma_wait3A] : memref<3x128xi32, #tpu.memory_space<vmem>> -> memref<1x128xi32, #tpu.memory_space<vmem>>
      %dma_wait3A_26 = tpu.memref_squeeze %dma_wait3A_25 : memref<1x128xi32, #tpu.memory_space<vmem>> -> memref<128xi32, #tpu.memory_space<vmem>>
      %dma_wait3A_27 = arith.constant 0 : i32
      %dma_wait3A_28 = arith.constant 0 : i32
      %dma_wait3A_29 = tpu.memref_slice %arg2[%dma_wait3A_27, %dma_wait3A_28] : memref<512x128xf32, #tpu.memory_space<hbm>> -> memref<512x128xf32, #tpu.memory_space<hbm>>
      tpu.wait_indirect_dma semaphore(%arg11 : memref<!tpu.dma_semaphore, #tpu.memory_space<semaphore_mem>>) src(%dma_wait3A_29 : memref<512x128xf32, #tpu.memory_space<hbm>>) dst(%arg8 : memref<128x128xf32, #tpu.memory_space<vmem>>)
      %mul3A_30 = arith.constant 384 : i32
      %mul3A_31 = arith.muli %add3A, %mul3A_30 : i32
      %mul3A_32 = arith.constant 128 : i32
      %mul3A_33 = arith.muli %add3A_19, %mul3A_32 : i32
      %add3A_34 = arith.addi %mul3A_31, %mul3A_33 : i32
      "tpu.region"() ({
        %run_scoped3A = tpu.sem_alloc : memref<!tpu.dma_semaphore, #tpu.memory_space<semaphore_mem>>
        %dma_start3A_35 = arith.constant 0 : i32
        %dma_start3A_36 = tpu.memref_slice %arg5[%add3A_34, %dma_start3A_35] : memref<12288x128xf32, #tpu.memory_space<hbm>> -> memref<128x128xf32, #tpu.memory_space<hbm>>
        %dma_start3A_37 = arith.constant 0 : i32
        %dma_start3A_38 = tpu.memref_slice %arg5[%add3A_34, %dma_start3A_37] : memref<12288x128xf32, #tpu.memory_space<hbm>> -> memref<128x128xf32, #tpu.memory_space<hbm>>
        tpu.enqueue_dma source(%arg8 : memref<128x128xf32, #tpu.memory_space<vmem>>) target(%dma_start3A_38 : memref<128x128xf32, #tpu.memory_space<hbm>>) target_semaphore(%run_scoped3A : memref<!tpu.dma_semaphore, #tpu.memory_space<semaphore_mem>>)
        %dma_wait3A_39 = arith.constant 0 : i32
        %dma_wait3A_40 = tpu.memref_slice %arg5[%add3A_34, %dma_wait3A_39] : memref<12288x128xf32, #tpu.memory_space<hbm>> -> memref<128x128xf32, #tpu.memory_space<hbm>>
        %dma_wait3A_41 = arith.constant 0 : i32
        %dma_wait3A_42 = tpu.memref_slice %arg5[%add3A_34, %dma_wait3A_41] : memref<12288x128xf32, #tpu.memory_space<hbm>> -> memref<128x128xf32, #tpu.memory_space<hbm>>
        tpu.wait_dma2 semaphore(%run_scoped3A : memref<!tpu.dma_semaphore, #tpu.memory_space<semaphore_mem>>) src(%arg8 : memref<128x128xf32, #tpu.memory_space<vmem>>) dst(%dma_wait3A_42 : memref<128x128xf32, #tpu.memory_space<hbm>>)
        tpu.yield
      }) : () -> ()
    }
    %scan3A_9 = arith.constant 3 : i32
    %scan3A_10 = arith.constant 0 : i32
    %scan3A_11 = arith.constant 625 : i32
    %scan3A_12 = arith.addi %scan3A_10, %scan3A_11 : i32
    %scan3A_13 = arith.constant 1 : i32
    scf.for %scan3A_15 = %scan3A_10 to %scan3A_12 step %scan3A_13  : i32 {
      %mul3A_16 = arith.constant 1 : i32
      %mul3A_17 = arith.muli %scan3A_15, %mul3A_16 : i32
      %add3A_18 = arith.constant 0 : i32
      %add3A_19 = arith.addi %add3A_18, %mul3A_17 : i32
      %mul3A_20 = arith.constant 16 : i32
      %mul3A_21 = arith.muli %add3A_19, %mul3A_20 : i32
      %get3A = arith.index_cast %mul3A_21 : i32 to index
      %get3A_22 = tpu.vector_load %arg9[%get3A] {strides = array<i32>} : memref<10000xi32, #tpu.memory_space<vmem>>, vector<16xi32>,
      %broadcast_in_dim3A = arith.constant 1.000000e+00 : f32
      %broadcast_in_dim3A_23 = vector.broadcast %broadcast_in_dim3A : f32 to vector<16xf32>
      tpu.vector_store_idx %arg10[%get3A_22], %broadcast_in_dim3A_23 {add = true} : memref<10240xf32, #tpu.memory_space<vmem>>[vector<16xi32>], vector<16xf32>,
    }
    %scan3A_14 = arith.constant 625 : i32
    "tpu.region"() ({
      %run_scoped3A = tpu.sem_alloc : memref<!tpu.dma_semaphore, #tpu.memory_space<semaphore_mem>>
      %dma_start3A = arith.constant 0 : i32
      %dma_start3A_15 = tpu.memref_slice %arg6[%add3A, %dma_start3A] : memref<32x10240xf32, #tpu.memory_space<hbm>> -> memref<1x10240xf32, #tpu.memory_space<hbm>>
      %dma_start3A_16 = tpu.memref_squeeze %dma_start3A_15 : memref<1x10240xf32, #tpu.memory_space<hbm>> -> memref<10240xf32, #tpu.memory_space<hbm>>
      %dma_start3A_17 = arith.constant 0 : i32
      %dma_start3A_18 = tpu.memref_slice %arg6[%add3A, %dma_start3A_17] : memref<32x10240xf32, #tpu.memory_space<hbm>> -> memref<1x10240xf32, #tpu.memory_space<hbm>>
      %dma_start3A_19 = tpu.memref_squeeze %dma_start3A_18 : memref<1x10240xf32, #tpu.memory_space<hbm>> -> memref<10240xf32, #tpu.memory_space<hbm>>
      tpu.enqueue_dma source(%arg10 : memref<10240xf32, #tpu.memory_space<vmem>>) target(%dma_start3A_19 : memref<10240xf32, #tpu.memory_space<hbm>>) target_semaphore(%run_scoped3A : memref<!tpu.dma_semaphore, #tpu.memory_space<semaphore_mem>>)
      %dma_wait3A = arith.constant 0 : i32
      %dma_wait3A_20 = tpu.memref_slice %arg6[%add3A, %dma_wait3A] : memref<32x10240xf32, #tpu.memory_space<hbm>> -> memref<1x10240xf32, #tpu.memory_space<hbm>>
      %dma_wait3A_21 = tpu.memref_squeeze %dma_wait3A_20 : memref<1x10240xf32, #tpu.memory_space<hbm>> -> memref<10240xf32, #tpu.memory_space<hbm>>
      %dma_wait3A_22 = arith.constant 0 : i32
      %dma_wait3A_23 = tpu.memref_slice %arg6[%add3A, %dma_wait3A_22] : memref<32x10240xf32, #tpu.memory_space<hbm>> -> memref<1x10240xf32, #tpu.memory_space<hbm>>
      %dma_wait3A_24 = tpu.memref_squeeze %dma_wait3A_23 : memref<1x10240xf32, #tpu.memory_space<hbm>> -> memref<10240xf32, #tpu.memory_space<hbm>>
      tpu.wait_dma2 semaphore(%run_scoped3A : memref<!tpu.dma_semaphore, #tpu.memory_space<semaphore_mem>>) src(%arg10 : memref<10240xf32, #tpu.memory_space<vmem>>) dst(%dma_wait3A_24 : memref<10240xf32, #tpu.memory_space<hbm>>)
      tpu.yield
    }) : () -> ()
    return
  }
}

module attributes {stable_mosaic.version = 14 : i64} {
  func.func @_scale_body(%arg0: memref<32x80x128xf32, #tpu.memory_space<vmem>>, %arg1: memref<80x128xf32, #tpu.memory_space<vmem>>, %arg2: memref<80x128xf32, #tpu.memory_space<vmem>>, %arg3: memref<80x128xf32, #tpu.memory_space<vmem>>) attributes {dimension_semantics = [], scalar_prefetch = 0 : i64, scratch_operands = 0 : i64, tpu.core_type = #tpu.core_type<tc>} {
    %get3A = arith.constant 0 : index
    %get3A_0 = arith.constant 0 : index
    %get3A_1 = arith.constant 0 : index
    %get3A_2 = vector.load %arg0[%get3A, %get3A_0, %get3A_1] : memref<32x80x128xf32, #tpu.memory_space<vmem>>, vector<32x80x128xf32>
    %reduce_sum3A = arith.constant dense<0.000000e+00> : vector<80x128xf32>
    %reduce_sum3A_3 = vector.multi_reduction <add>, %get3A_2, %reduce_sum3A [0] : vector<32x80x128xf32> to vector<80x128xf32>
    %add3A = arith.constant 1.000000e+00 : f32
    %add3A_4 = vector.broadcast %add3A : f32 to vector<80x128xf32>
    %add3A_5 = arith.addf %reduce_sum3A_3, %add3A_4 : vector<80x128xf32>
    %rsqrt3A = math.rsqrt %add3A_5 : vector<80x128xf32>
    %swap3A = arith.constant 0 : index
    %swap3A_6 = arith.constant 0 : index
    %swap3A_7 = vector.load %arg2[%swap3A, %swap3A_6] : memref<80x128xf32, #tpu.memory_space<vmem>>, vector<80x128xf32>
    tpu.vector_store %arg2[%swap3A, %swap3A_6], %rsqrt3A {strides = array<i32>} : memref<80x128xf32, #tpu.memory_space<vmem>>, vector<80x128xf32>,
    %get3A_8 = arith.constant 0 : index
    %get3A_9 = arith.constant 0 : index
    %get3A_10 = vector.load %arg1[%get3A_8, %get3A_9] : memref<80x128xf32, #tpu.memory_space<vmem>>, vector<80x128xf32>
    %mul3A = arith.mulf %rsqrt3A, %get3A_10 : vector<80x128xf32>
    %swap3A_11 = arith.constant 0 : index
    %swap3A_12 = arith.constant 0 : index
    %swap3A_13 = vector.load %arg3[%swap3A_11, %swap3A_12] : memref<80x128xf32, #tpu.memory_space<vmem>>, vector<80x128xf32>
    tpu.vector_store %arg3[%swap3A_11, %swap3A_12], %mul3A {strides = array<i32>} : memref<80x128xf32, #tpu.memory_space<vmem>>, vector<80x128xf32>,
    return
  }
}

module attributes {stable_mosaic.version = 14 : i64} {
  func.func @_mm1_body(%arg0: i32, %arg1: i32, %arg2: memref<1024x128xf32, #tpu.memory_space<vmem>>, %arg3: memref<128x128xf32, #tpu.memory_space<vmem>>, %arg4: memref<8x128xf32, #tpu.memory_space<vmem>>, %arg5: memref<1x1024x128xf32, #tpu.memory_space<vmem>>) attributes {dimension_semantics = [#tpu.dimension_semantics<arbitrary>, #tpu.dimension_semantics<arbitrary>], iteration_bounds = array<i64: 10, 2>, scalar_prefetch = 0 : i64, scratch_operands = 0 : i64, tpu.core_type = #tpu.core_type<tc>, window_params = [{transform_indices = @transform_0, window_bounds = array<i64: 1024, 128>}, {transform_indices = @transform_1, window_bounds = array<i64: 128, 128>}, {transform_indices = @transform_2, window_bounds = array<i64: 8, 128>}, {transform_indices = @transform_3, window_bounds = array<i64: 1, 1024, 128>}]} {
    %get3A = arith.constant 0 : index
    %get3A_0 = arith.constant 0 : index
    %get3A_1 = vector.load %arg2[%get3A, %get3A_0] : memref<1024x128xf32, #tpu.memory_space<vmem>>, vector<1024x128xf32>
    %get3A_2 = arith.constant 0 : index
    %get3A_3 = arith.constant 0 : index
    %get3A_4 = vector.load %arg3[%get3A_2, %get3A_3] : memref<128x128xf32, #tpu.memory_space<vmem>>, vector<128x128xf32>
    %dot_general3A = arith.constant dense<0.000000e+00> : vector<1024x128xf32>
    %dot_general3A_5 = tpu.matmul %get3A_1, %get3A_4, %dot_general3A {dimension_numbers = #tpu.dot_dimension_numbers<[1], [0], [0], [1], [0, 0, 1, 1], [], []>, precision = #tpu.contract_precision<fp32>, transpose_lhs_hint = false} : vector<1024x128xf32>, vector<128x128xf32>, vector<1024x128xf32> -> vector<1024x128xf32>
    %get3A_6 = arith.constant 0 : index
    %get3A_7 = arith.constant 0 : index
    %get3A_8 = vector.load %arg4[%get3A_6, %get3A_7] : memref<8x128xf32, #tpu.memory_space<vmem>>, vector<8x128xf32>
    %reshape3A = vector.shape_cast %dot_general3A_5 : vector<1024x128xf32> to vector<8x128x128xf32>
    %broadcast_in_dim3A = vector.shape_cast %get3A_8 : vector<8x128xf32> to vector<8x128x1xf32>
    %mul3A = vector.broadcast %broadcast_in_dim3A : vector<8x128x1xf32> to vector<8x128x128xf32>
    %mul3A_9 = arith.mulf %reshape3A, %mul3A : vector<8x128x128xf32>
    %reshape3A_10 = vector.shape_cast %mul3A_9 : vector<8x128x128xf32> to vector<1024x128xf32>
    %swap3A = arith.constant 0 : index
    %swap3A_11 = arith.constant 0 : index
    %swap3A_12 = arith.constant 0 : index
    %swap3A_13 = vector.load %arg5[%swap3A, %swap3A_11, %swap3A_12] : memref<1x1024x128xf32, #tpu.memory_space<vmem>>, vector<1x1024x128xf32>
    %swap3A_14 = vector.shape_cast %swap3A_13 : vector<1x1024x128xf32> to vector<1024x128xf32>
    %swap3A_15 = vector.shape_cast %reshape3A_10 : vector<1024x128xf32> to vector<1x1024x128xf32>
    tpu.vector_store %arg5[%swap3A, %swap3A_11, %swap3A_12], %swap3A_15 {strides = array<i32>} : memref<1x1024x128xf32, #tpu.memory_space<vmem>>, vector<1x1024x128xf32>,
    return
  }
  func.func @transform_0(%arg0: i32, %arg1: i32) -> (i32, i32) {
    %c0_i32 = arith.constant 0 : i32
    %c0_i32_0 = arith.constant 0 : i32
    return %arg0, %c0_i32 : i32, i32
  }
  func.func @transform_1(%arg0: i32, %arg1: i32) -> (i32, i32) {
    %c0_i32 = arith.constant 0 : i32
    %c0_i32_0 = arith.constant 0 : i32
    return %c0_i32, %arg1 : i32, i32
  }
  func.func @transform_2(%arg0: i32, %arg1: i32) -> (i32, i32) {
    %c0_i32 = arith.constant 0 : i32
    %c0_i32_0 = arith.constant 0 : i32
    return %arg0, %c0_i32 : i32, i32
  }
  func.func @transform_3(%arg0: i32, %arg1: i32) -> (i32, i32, i32) {
    %c0_i32 = arith.constant 0 : i32
    %c0_i32_0 = arith.constant 0 : i32
    return %arg1, %arg0, %c0_i32 : i32, i32, i32
  }
}

module attributes {stable_mosaic.version = 14 : i64} {
  func.func @_mm2_body(%arg0: i32, %arg1: i32, %arg2: i32, %arg3: memref<1x1024x128xf32, #tpu.memory_space<vmem>>, %arg4: memref<1x1024x128xf32, #tpu.memory_space<vmem>>, %arg5: memref<8x128xf32, #tpu.memory_space<vmem>>, %arg6: memref<128x128xf32, #tpu.memory_space<vmem>>, %arg7: memref<1x1024x128xf32, #tpu.memory_space<vmem>>) attributes {dimension_semantics = [#tpu.dimension_semantics<arbitrary>, #tpu.dimension_semantics<arbitrary>, #tpu.dimension_semantics<arbitrary>], iteration_bounds = array<i64: 10, 2, 2>, scalar_prefetch = 0 : i64, scratch_operands = 0 : i64, tpu.core_type = #tpu.core_type<tc>, window_params = [{transform_indices = @transform_0, window_bounds = array<i64: 1, 1024, 128>}, {transform_indices = @transform_1, window_bounds = array<i64: 1, 1024, 128>}, {transform_indices = @transform_2, window_bounds = array<i64: 8, 128>}, {transform_indices = @transform_3, window_bounds = array<i64: 128, 128>}, {transform_indices = @transform_4, window_bounds = array<i64: 1, 1024, 128>}]} {
    %get3A = arith.constant 0 : index
    %get3A_0 = arith.constant 0 : index
    %get3A_1 = vector.load %arg5[%get3A, %get3A_0] : memref<8x128xf32, #tpu.memory_space<vmem>>, vector<8x128xf32>
    %get3A_2 = arith.constant 0 : index
    %get3A_3 = arith.constant 0 : index
    %get3A_4 = arith.constant 0 : index
    %get3A_5 = vector.load %arg3[%get3A_2, %get3A_3, %get3A_4] : memref<1x1024x128xf32, #tpu.memory_space<vmem>>, vector<1x1024x128xf32>
    %get3A_6 = vector.shape_cast %get3A_5 : vector<1x1024x128xf32> to vector<1024x128xf32>
    %get3A_7 = arith.constant 0 : index
    %get3A_8 = arith.constant 0 : index
    %get3A_9 = arith.constant 0 : index
    %get3A_10 = vector.load %arg4[%get3A_7, %get3A_8, %get3A_9] : memref<1x1024x128xf32, #tpu.memory_space<vmem>>, vector<1x1024x128xf32>
    %get3A_11 = vector.shape_cast %get3A_10 : vector<1x1024x128xf32> to vector<1024x128xf32>
    %add3A = arith.addf %get3A_6, %get3A_11 : vector<1024x128xf32>
    %reshape3A = vector.shape_cast %add3A : vector<1024x128xf32> to vector<8x128x128xf32>
    %broadcast_in_dim3A = vector.shape_cast %get3A_1 : vector<8x128xf32> to vector<8x128x1xf32>
    %mul3A = vector.broadcast %broadcast_in_dim3A : vector<8x128x1xf32> to vector<8x128x128xf32>
    %mul3A_12 = arith.mulf %reshape3A, %mul3A : vector<8x128x128xf32>
    %reshape3A_13 = vector.shape_cast %mul3A_12 : vector<8x128x128xf32> to vector<1024x128xf32>
    %max3A = arith.constant 0.000000e+00 : f32
    %max3A_14 = vector.broadcast %max3A : f32 to vector<1024x128xf32>
    %max3A_15 = arith.maximumf %reshape3A_13, %max3A_14 : vector<1024x128xf32>
    %get3A_16 = arith.constant 0 : index
    %get3A_17 = arith.constant 0 : index
    %get3A_18 = vector.load %arg6[%get3A_16, %get3A_17] : memref<128x128xf32, #tpu.memory_space<vmem>>, vector<128x128xf32>
    %dot_general3A = arith.constant dense<0.000000e+00> : vector<1024x128xf32>
    %dot_general3A_19 = tpu.matmul %max3A_15, %get3A_18, %dot_general3A {dimension_numbers = #tpu.dot_dimension_numbers<[1], [0], [0], [1], [0, 0, 1, 1], [], []>, precision = #tpu.contract_precision<fp32>, transpose_lhs_hint = false} : vector<1024x128xf32>, vector<128x128xf32>, vector<1024x128xf32> -> vector<1024x128xf32>
    %eq3A = arith.constant 0 : i32
    %eq3A_20 = arith.cmpi eq, %arg2, %eq3A : i32
    %convert_element_type3A = arith.extui %eq3A_20 : i1 to i32
    %cond3A = arith.constant 0 : i32
    %cond3A_21 = arith.cmpi ne, %convert_element_type3A, %cond3A : i32
    scf.if %cond3A_21 {
      %swap3A = arith.constant 0 : index
      %swap3A_27 = arith.constant 0 : index
      %swap3A_28 = arith.constant 0 : index
      %swap3A_29 = vector.load %arg7[%swap3A, %swap3A_27, %swap3A_28] : memref<1x1024x128xf32, #tpu.memory_space<vmem>>, vector<1x1024x128xf32>
      %swap3A_30 = vector.shape_cast %swap3A_29 : vector<1x1024x128xf32> to vector<1024x128xf32>
      %swap3A_31 = vector.shape_cast %dot_general3A_19 : vector<1024x128xf32> to vector<1x1024x128xf32>
      tpu.vector_store %arg7[%swap3A, %swap3A_27, %swap3A_28], %swap3A_31 {strides = array<i32>} : memref<1x1024x128xf32, #tpu.memory_space<vmem>>, vector<1x1024x128xf32>,
    } else {
    }
    %eq3A_22 = arith.constant 1 : i32
    %eq3A_23 = arith.cmpi eq, %arg2, %eq3A_22 : i32
    %convert_element_type3A_24 = arith.extui %eq3A_23 : i1 to i32
    %cond3A_25 = arith.constant 0 : i32
    %cond3A_26 = arith.cmpi ne, %convert_element_type3A_24, %cond3A_25 : i32
    scf.if %cond3A_26 {
      %get3A_27 = arith.constant 0 : index
      %get3A_28 = arith.constant 0 : index
      %get3A_29 = arith.constant 0 : index
      %get3A_30 = vector.load %arg7[%get3A_27, %get3A_28, %get3A_29] : memref<1x1024x128xf32, #tpu.memory_space<vmem>>, vector<1x1024x128xf32>
      %get3A_31 = vector.shape_cast %get3A_30 : vector<1x1024x128xf32> to vector<1024x128xf32>
      %add3A_32 = arith.addf %get3A_31, %dot_general3A_19 : vector<1024x128xf32>
      %reshape3A_33 = vector.shape_cast %add3A_32 : vector<1024x128xf32> to vector<8x128x128xf32>
      %broadcast_in_dim3A_34 = vector.shape_cast %get3A_1 : vector<8x128xf32> to vector<8x128x1xf32>
      %mul3A_35 = vector.broadcast %broadcast_in_dim3A_34 : vector<8x128x1xf32> to vector<8x128x128xf32>
      %mul3A_36 = arith.mulf %reshape3A_33, %mul3A_35 : vector<8x128x128xf32>
      %reshape3A_37 = vector.shape_cast %mul3A_36 : vector<8x128x128xf32> to vector<1024x128xf32>
      %swap3A = arith.constant 0 : index
      %swap3A_38 = arith.constant 0 : index
      %swap3A_39 = arith.constant 0 : index
      %swap3A_40 = vector.load %arg7[%swap3A, %swap3A_38, %swap3A_39] : memref<1x1024x128xf32, #tpu.memory_space<vmem>>, vector<1x1024x128xf32>
      %swap3A_41 = vector.shape_cast %swap3A_40 : vector<1x1024x128xf32> to vector<1024x128xf32>
      %swap3A_42 = vector.shape_cast %reshape3A_37 : vector<1024x128xf32> to vector<1x1024x128xf32>
      tpu.vector_store %arg7[%swap3A, %swap3A_38, %swap3A_39], %swap3A_42 {strides = array<i32>} : memref<1x1024x128xf32, #tpu.memory_space<vmem>>, vector<1x1024x128xf32>,
    } else {
    }
    return
  }
  func.func @transform_0(%arg0: i32, %arg1: i32, %arg2: i32) -> (i32, i32, i32) {
    %c0_i32 = arith.constant 0 : i32
    %c0_i32_0 = arith.constant 0 : i32
    return %arg2, %arg0, %c0_i32 : i32, i32, i32
  }
  func.func @transform_1(%arg0: i32, %arg1: i32, %arg2: i32) -> (i32, i32, i32) {
    %c0_i32 = arith.constant 0 : i32
    %c0_i32_0 = arith.constant 0 : i32
    return %arg2, %arg0, %c0_i32 : i32, i32, i32
  }
  func.func @transform_2(%arg0: i32, %arg1: i32, %arg2: i32) -> (i32, i32) {
    %c0_i32 = arith.constant 0 : i32
    %c0_i32_0 = arith.constant 0 : i32
    return %arg0, %c0_i32 : i32, i32
  }
  func.func @transform_3(%arg0: i32, %arg1: i32, %arg2: i32) -> (i32, i32) {
    %c0_i32 = arith.constant 0 : i32
    return %arg2, %arg1 : i32, i32
  }
  func.func @transform_4(%arg0: i32, %arg1: i32, %arg2: i32) -> (i32, i32, i32) {
    %c0_i32 = arith.constant 0 : i32
    %c0_i32_0 = arith.constant 0 : i32
    return %arg1, %arg0, %c0_i32 : i32, i32, i32
  }
}

module attributes {stable_mosaic.version = 14 : i64} {
  func.func @_fin_body(%arg0: i32, %arg1: i32, %arg2: memref<1x1024x128xf32, #tpu.memory_space<vmem>>, %arg3: memref<1x1024x128xf32, #tpu.memory_space<vmem>>, %arg4: memref<8x128xf32, #tpu.memory_space<vmem>>, %arg5: memref<1024x128xf32, #tpu.memory_space<vmem>>) attributes {dimension_semantics = [#tpu.dimension_semantics<arbitrary>, #tpu.dimension_semantics<arbitrary>], iteration_bounds = array<i64: 10, 2>, scalar_prefetch = 0 : i64, scratch_operands = 0 : i64, tpu.core_type = #tpu.core_type<tc>, window_params = [{transform_indices = @transform_0, window_bounds = array<i64: 1, 1024, 128>}, {transform_indices = @transform_1, window_bounds = array<i64: 1, 1024, 128>}, {transform_indices = @transform_2, window_bounds = array<i64: 8, 128>}, {transform_indices = @transform_3, window_bounds = array<i64: 1024, 128>}]} {
    %get3A = arith.constant 0 : index
    %get3A_0 = arith.constant 0 : index
    %get3A_1 = arith.constant 0 : index
    %get3A_2 = vector.load %arg2[%get3A, %get3A_0, %get3A_1] : memref<1x1024x128xf32, #tpu.memory_space<vmem>>, vector<1x1024x128xf32>
    %get3A_3 = vector.shape_cast %get3A_2 : vector<1x1024x128xf32> to vector<1024x128xf32>
    %get3A_4 = arith.constant 0 : index
    %get3A_5 = arith.constant 0 : index
    %get3A_6 = arith.constant 0 : index
    %get3A_7 = vector.load %arg3[%get3A_4, %get3A_5, %get3A_6] : memref<1x1024x128xf32, #tpu.memory_space<vmem>>, vector<1x1024x128xf32>
    %get3A_8 = vector.shape_cast %get3A_7 : vector<1x1024x128xf32> to vector<1024x128xf32>
    %add3A = arith.addf %get3A_3, %get3A_8 : vector<1024x128xf32>
    %get3A_9 = arith.constant 0 : index
    %get3A_10 = arith.constant 0 : index
    %get3A_11 = vector.load %arg4[%get3A_9, %get3A_10] : memref<8x128xf32, #tpu.memory_space<vmem>>, vector<8x128xf32>
    %reshape3A = vector.shape_cast %add3A : vector<1024x128xf32> to vector<8x128x128xf32>
    %broadcast_in_dim3A = vector.shape_cast %get3A_11 : vector<8x128xf32> to vector<8x128x1xf32>
    %mul3A = vector.broadcast %broadcast_in_dim3A : vector<8x128x1xf32> to vector<8x128x128xf32>
    %mul3A_12 = arith.mulf %reshape3A, %mul3A : vector<8x128x128xf32>
    %reshape3A_13 = vector.shape_cast %mul3A_12 : vector<8x128x128xf32> to vector<1024x128xf32>
    %swap3A = arith.constant 0 : index
    %swap3A_14 = arith.constant 0 : index
    %swap3A_15 = vector.load %arg5[%swap3A, %swap3A_14] : memref<1024x128xf32, #tpu.memory_space<vmem>>, vector<1024x128xf32>
    tpu.vector_store %arg5[%swap3A, %swap3A_14], %reshape3A_13 {strides = array<i32>} : memref<1024x128xf32, #tpu.memory_space<vmem>>, vector<1024x128xf32>,
    return
  }
  func.func @transform_0(%arg0: i32, %arg1: i32) -> (i32, i32, i32) {
    %c0_i32 = arith.constant 0 : i32
    %c0_i32_0 = arith.constant 0 : i32
    return %arg1, %arg0, %c0_i32 : i32, i32, i32
  }
  func.func @transform_1(%arg0: i32, %arg1: i32) -> (i32, i32, i32) {
    %c0_i32 = arith.constant 0 : i32
    %c0_i32_0 = arith.constant 0 : i32
    return %arg1, %arg0, %c0_i32 : i32, i32, i32
  }
  func.func @transform_2(%arg0: i32, %arg1: i32) -> (i32, i32) {
    %c0_i32 = arith.constant 0 : i32
    %c0_i32_0 = arith.constant 0 : i32
    return %arg0, %c0_i32 : i32, i32
  }
  func.func @transform_3(%arg0: i32, %arg1: i32) -> (i32, i32) {
    %c0_i32 = arith.constant 0 : i32
    return %arg0, %arg1 : i32, i32
  }
}

</mosaic_0001>

<sc_bundles>
// kernel: kernel.12.cloned.1.call-start
scs
__scs_entry_jumppad:
0x0: {  	(pc) =	sbr.rel $0x88, $3  }
0x1: {  	(tag) =	ssettag $0x0;
	lr =	simm.s32 $0x1  }
0x2: {  	[smem:$0x3F9B] =	sst lr;
	_ =	strace $0xD0000000  }
0x3: {  	_ = 	snop  }
0x4: {  	_ = 	snop  }
0x5: {  	_ = 	snop  }
0x6: {  	_ = 	snop  }
0x7: {  	_ = 	snop  }
__scs_overlays_trampoline_lowered:
0x8: {  	[smem:$0x3FAA] =	sst s0  }
0x9: {  	[smem:$0x3FAB] =	sst s1  }
0xa: {  	[smem:$0x3FAC] =	sst s2  }
0xb: {  	[smem:$0x3FAD] =	sst s3  }
0xc: {  	[smem:$0x3FAE] =	sst s4  }
0xd: {  	[smem:$0x3FAF] =	sst s5  }
0xe: {  	[smem:$0x3FB0] =	sst s6  }
0xf: {  	[smem:$0x3FB1] =	sst s7  }
0x10: {  	[smem:$0x3FB2] =	sst s8  }
0x11: {  	[smem:$0x3FB3] =	sst s9;
	s0 =	simm.s32 @!p0 $0x0  }
0x12: {  	s1 =	sld [smem:$0x3F99];
	s0 =	simm.s32 @p0 $0x1  }
0x13: {  	[smem:$0x3FB4] =	sst s0;
	s0 =	simm.s32 @!p1 $0x0  }
0x14: {  	s2 =	sld [smem:$0x3F98];
	s0 =	simm.s32 @p1 $0x1  }
0x15: {  	[smem:$0x3FB5] =	sst s0;
	s0 =	simm.s32 @!p2 $0x0  }
0x16: {  	s3 =	sld [smem:$0x3FDB];
	s0 =	simm.s32 @p2 $0x1  }
0x17: {  	s4 =	simm.s32 $0x1BF5;
	[smem:$0x3FB7] =	sst s0  }
0x18: {  	s0 =	sld [smem:$0x3F9A];
	_ =	swait.ge [sflag:s4], $0x0  }
0x19: {  	s7 =	sld [smem:$0x3F9B]  }
0x1a: {  	s8 =	sadd.s32 $0xFFFFE003, lr  }
0x1b: {  	s9 =	sadd.s32 $0xFFFFFEF7, lr;
	s5 =	simm.s32 $0xFFFFFFFF;
	p2 =	slt.u32 s8, $0xFFFFF086  }
0x1c: {  	p1 =	slt.u32 s9, $0xF7A;
	s5 =	simm.s32 @!p2 $0x0  }
0x1d: {  	s5 =	simm.s32 @p1 $0x1;
	p0 =	seq.s32 s7, s2  }
0x1e: {  	s7 =	smul.u32 @!p0 $0xF7A, s2;
	p2 =	seq.s32 @!p0 s5, $0x0  }
0x1f: {  	s9 =	smul.u32 $0xF7A, s1;
	s8 =	simm.s32 @!p0 $0x1BF5;
	p2 =	por !p2, p0  }
0x20: {  	[sflag:s8] =	ssyncset.s32 @!p0 $0xFFFFF086;
	s6 =	sadd.s32 @!p0 s3, s7;
	s7 =	simm.s32 @!p0 $0x108  }
0x21: {  	s3 =	sadd.s32 s3, s9;
	s6 =	sadd.s32 @!p0 $0x88, s6;
	s7 =	simm.s32 @p2 $0x1082  }
0x22: {  	[simem:s7], [sflag:s8] =	dma.local @!p0 [hbm:s6], $0xF7A  }
0x23: {  	s9 =	sor.u32 $0xD0000000, s2;
	s6 =	simm.s32 $0x108;
	_ =	swait.ge @!p0 [sflag:s8], $0x0  }
0x24: {  	s3 =	sadd.s32 $0x88, s3;
	s6 =	simm.s32 @!p1 $0x1082;
	[sflag:s4] =	ssyncset.s32 $0xFFFFF086  }
0x25: {  	[simem:s6], [sflag:s4] =	dma.local [hbm:s3], $0xF7A  }
0x26: {  	[smem:$0x3F9B] =	sst s1;
	(tag) =	ssettag s2;
	_ =	strace s9  }
0x27: {  	s1 =	sld [smem:$0x3FAB]  }
0x28: {  	s2 =	sld [smem:$0x3FAC]  }
0x29: {  	s4 =	sld [smem:$0x3FAE]  }
0x2a: {  	p0 =	seq.s32 s5, $0x0;
	s5 =	sld [smem:$0x3FAF]  }
0x2b: {  	s6 =	sld [smem:$0x3FB0]  }
0x2c: {  	s7 =	sld [smem:$0x3FB1]  }
0x2d: {  	s3 =	simm.s32 $0x108;
	s8 =	sld [smem:$0x3FB2]  }
0x2e: {  	s3 =	simm.s32 @!p0 $0x1082;
	s9 =	sld [smem:$0x3FB3]  }
0x2f: {  	lr =	sadd.s32 s0, s3;
	s0 =	sld [smem:$0x3FAA]  }
0x30: {  	s3 =	sld [smem:$0x3FAD]  }
0x31: {  	[smem:$0x3FB6] =	sst s10  }
0x32: {  	s10 =	sld [smem:$0x3FB4];
	_ =	sdelay $0x3  }
0x33: {  	p0 =	seq.s32 s10, $0x1;
	s10 =	sld [smem:$0x3FB6];
	_ =	sdelay $0x3  }
0x34: {  	[smem:$0x3FB6] =	sst s10  }
0x35: {  	s10 =	sld [smem:$0x3FB5];
	_ =	sdelay $0x3  }
0x36: {  	p1 =	seq.s32 s10, $0x1;
	s10 =	sld [smem:$0x3FB6];
	_ =	sdelay $0x3  }
0x37: {  	[smem:$0x3FB6] =	sst s10  }
0x38: {  	s10 =	sld [smem:$0x3FB7]  }
0x39: {  	_ = 	snop;
	(pc) =	sbr.ind lr, $3  }
0x3a: {  	_ = 	snop  }
0x3b: {  	_ = 	snop  }
0x3c: {  	p2 =	seq.s32 s10, $0x1;
	s10 =	sld [smem:$0x3FB6]  }
0x3d: {  	_ =	shalt  }
0x3e: {  	_ =	shalt  }
0x3f: {  	_ =	shalt  }
0x40: {  	_ =	shalt  }
0x41: {  	_ =	shalt  }
0x42: {  	_ =	shalt  }
0x43: {  	_ =	shalt  }
0x44: {  	_ =	shalt  }
0x45: {  	_ =	shalt  }
0x46: {  	_ =	shalt  }
0x47: {  	_ =	shalt  }
0x48: {  	_ =	shalt  }
0x49: {  	_ =	shalt  }
0x4a: {  	_ =	shalt  }
0x4b: {  	_ =	shalt  }
0x4c: {  	_ =	shalt  }
0x4d: {  	_ =	shalt  }
0x4e: {  	_ =	shalt  }
0x4f: {  	_ =	shalt  }
0x50: {  	_ =	shalt  }
0x51: {  	_ =	shalt  }
0x52: {  	_ =	shalt  }
0x53: {  	_ =	shalt  }
0x54: {  	_ =	shalt  }
0x55: {  	_ =	shalt  }
0x56: {  	_ =	shalt  }
0x57: {  	_ =	shalt  }
0x58: {  	_ =	shalt  }
0x59: {  	_ =	shalt  }
0x5a: {  	_ =	shalt  }
0x5b: {  	_ =	shalt  }
0x5c: {  	_ =	shalt  }
0x5d: {  	_ =	shalt  }
0x5e: {  	_ =	shalt  }
0x5f: {  	_ =	shalt  }
0x60: {  	_ =	shalt  }
0x61: {  	_ =	shalt  }
0x62: {  	_ =	shalt  }
0x63: {  	_ =	shalt  }
0x64: {  	_ =	shalt  }
0x65: {  	_ =	shalt  }
0x66: {  	_ =	shalt  }
0x67: {  	_ =	shalt  }
0x68: {  	_ =	shalt  }
0x69: {  	_ =	shalt  }
0x6a: {  	_ =	shalt  }
0x6b: {  	_ =	shalt  }
0x6c: {  	_ =	shalt  }
0x6d: {  	_ =	shalt  }
0x6e: {  	_ =	shalt  }
0x6f: {  	_ =	shalt  }
0x70: {  	_ =	shalt  }
0x71: {  	_ =	shalt  }
0x72: {  	_ =	shalt  }
0x73: {  	_ =	shalt  }
0x74: {  	_ =	shalt  }
0x75: {  	_ =	shalt  }
0x76: {  	_ =	shalt  }
0x77: {  	_ =	shalt  }
0x78: {  	_ =	shalt  }
0x79: {  	_ =	shalt  }
0x7a: {  	_ =	shalt  }
0x7b: {  	_ =	shalt  }
0x7c: {  	_ =	shalt  }
0x7d: {  	_ =	shalt  }
0x7e: {  	_ =	shalt  }
0x7f: {  	_ =	shalt  }
0x80: {  	_ =	shalt  }
0x81: {  	_ =	shalt  }
0x82: {  	_ =	shalt  }
0x83: {  	_ =	shalt  }
0x84: {  	_ =	shalt  }
0x85: {  	_ =	shalt  }
0x86: {  	_ =	shalt  }
0x87: {  	_ =	shalt  }
.Lfunc_end0:
.L_simem_size_0:
called_computation.1_lowered:
.L_overlay_start_0:
0x88: {  	s2 =	sld [smem:$0x3FD9]  }
0x89: {  	s3 =	sld [smem:$0x3FFE];
	_ =	sdelay $0x1  }
0x8a: {  	s1 =	srdreg.scid  }
0x8b: {  	s0 =	sand.u32 $0x1, s1  }
0x8c: {  	s16 =	sshll.u32 s0, $0xA;
	s2 =	sadd.s32 s3, s2  }
0x8d: {  	s2 =	sadd.s32 s2, s16  }
0x8e: {  	[smem:$0x3FC2] =	sst s2  }
0x8f: {  	_ = 	snop  }
0x90: {  	(tm) =	ssettm $0x1  }
0x91: {  	s17 =	sld [smem:$0x3FFB];
	_ =	sdelay $0x3  }
0x92: {  	_ =	strace s17  }
0x93: {  	s2 =	sld [smem:$0x3FFC];
	_ =	sdelay $0x3  }
0x94: {  	_ =	strace s2  }
0x95: {  	s2 =	sld [smem:$0x3FFD];
	_ =	sdelay $0x3  }
0x96: {  	_ =	strace s2  }
0x97: {  	_ =	strace $0x8FFFFFFF  }
0x98: {  	s18 =	sld [smem:$0x3FDB];
	_ =	sdelay $0x1  }
0x99: {  	s19 =	simm.s32 $_scs_section_size  }
0x9a: {  	s4 =	simm.s32 $_size__tile_overlayer_lowered;
	s5 =	simm.s32 $_tile_overlayer_lowered  }
0x9b: {  	s22 =	simm.s32 $0x1BFF;
	s21 =	sshll.u32 s5, $0x1;
	s2 =	sadd.s32 s19, s18  }
0x9c: {  	s6 =	simm.s32 $0x0;
	s20 =	sshll.u32 s4, $0x1;
	s4 =	sadd.s32 s21, s2  }
0x9d: {  	[timem:s6], [sflag:s22] =	dma.local [hbm:s4], s20  }
0x9e: {  	_ =	swait.ge [sflag:s22], s20  }
0x9f: {  	s3 =	ssub.s32 $0x0, s20;
	[sflag:s22] =	ssyncset.done $0x0  }
0xa0: {  	[sflag:s22] =	ssyncadd.s32 s3;
	_ =	sdelay $0x1  }
0xa1: {  	s23 =	simm.s32 $0x1B8B  }
0xa2: {  	_ =	swait.ge [sflag:s23], $0x1  }
0xa3: {  	[sflag:s23] =	ssyncset.done $0x0  }
0xa4: {  	s25 =	simm.s32 $0x1B8E;
	s24 =	sld [smem:$0x3FFE];
	[sflag:s23] =	ssyncadd.s32 $0xFFFFFFFF  }
0xa5: {  	s26 =	simm.s32 $execute0_lowered;
	[smem:$0x3FD2] =	sst s25  }
0xa6: {  	s4 =	sshll.u32 s26, $0x1;
	_ =	strace $0x80000049;
	[dreg:$0x1] =	wrdreg $0xFFFFFFFF  }
0xa7: {  	s28 =	simm.s32 $_size_execute0_lowered;
	s2 =	sadd.s32 s2, s4;
	[dreg:$0x0] =	wrdreg $0x0  }
0xa8: {  	s4 =	sshll.u32 s28, $0x1;
	[dreg:$0x2] =	wrdreg s2  }
0xa9: {  	[dreg:$0x3] =	wrdreg s4  }
0xaa: {  	[dreg:$0x4] =	wrdreg $0xC0  }
0xab: {  	_ =	task [dreg:s6], $0x5FFFF  }
0xac: {  	[dreg:$0x1] =	wrdreg $0xFFFFFFFF  }
0xad: {  	[dreg:$0x0] =	wrdreg $0x60  }
0xae: {  	[dreg:$0x2] =	wrdreg s24  }
0xaf: {  	[dreg:$0x3] =	wrdreg $0x120000  }
0xb0: {  	[dreg:$0x4] =	wrdreg $0x9  }
0xb1: {  	_ =	task.clear_ibuf [dreg:s6], $0x5FFFF;
	_ =	strace $0x90000049  }
0xb2: {  	s29 =	simm.s32 $0x9;
	_ =	strace $0x8000004B  }
0xb3: {  	_ =	swait.ge [sflag:s29], $0x1  }
0xb4: {  	[sflag:s29] =	ssyncadd.s32 $0xFFFFFFFF  }
0xb5: {  	_ =	strace $0x9000004B  }
0xb6: {  	_ =	sfence  }
0xb7: {  	s30 =	sld [smem:$0x0];
	_ =	sdelay $0x2  }
0xb8: {  	s31 =	sshll.u32 s1, $0xD;
	s1 =	sshrl.u32 s1, $0x2  }
0xb9: {  	s3 =	sand.u32 $0x4000, s31;
	s1 =	sadd.s32 s1, s30  }
0xba: {  	s0 =	sor.u32 s3, s0;
	s1 =	sshll.u32 s1, $0x11  }
0xbb: {  	s0 =	sor.u32 s1, s0  }
0xbc: {  	s0 =	sadd.s32 $0x8F2B, s0  }
0xbd: {  	[sflag:s0] =	ssyncadd.remote.s32 $0x1  }
0xbe: {  	_ =	sfence.sel $0xFFFF  }
0xbf: {  	[dreg:$0x0] =	wrdreg $0xFFFFFFFF;
	(pc) =	sbr.abs _section_cstart, $3  }
0xc0: {  	[dreg:$0x1] =	wrdreg $0xFFFFFFFF  }
0xc1: {  	_ =	task.clear_ibuf [dreg:s6], $0x2FFFF;
	_ =	strace $0x9FFFFFFF  }
0xc2: {  	(tm) =	ssettm $0x7FFFFFFF  }
0xc3: {  	_ =	shalt  }
tec
execute0_lowered:
.L_overlay_start_1:
0x0: {  	(tag) =	ssettag $0x1  }
0x1: {  	s1 =	srdreg.scid;
	s7 =	rddreg [dreg:$0x0]  }
0x2: {  	s0 =	stileid.u32;
	s3 =	rddreg [dreg:$0x1];
	s4 =	simm.s32 $0x0  }
0x3: {  	s17 =	simm.s32 $0x80;
	s18 =	simm.s32 $0xE000;
	s2 =	smul.u32 $0x5000, s0  }
0x4: {  	s19 =	simm.s32 $0x1;
	s20 =	simm.s32 $0x2;
	s11 =	smul.u32 $0x2A000, s0  }
0x5: {  	s21 =	simm.s32 $0x4E80;
	s22 =	simm.s32 $0x9E00;
	s13 =	smul.u32 $0xA000, s0  }
0x6: {  	s23 =	simm.s32 $0x9E80;
	s10 =	sand.u32 $0x1, s1;
	s31 =	smul.u32 $0x28000, s0  }
0x7: {  	s25 =	simm.s32 $0x0;
	[smem:$0x7FF] =	sst s4;
	s5 =	smul.u32 $0x50000, s10  }
0x8: {  	_ =	strace $0x8000004A;
	s9 =	ssub.s32 $0x2, s10;
	s15 =	smul.u32 $0x140000, s10  }
0x9: {  	s12 =	sshrl.u32 s9, $0x1;
	s30 =	sshrl.u32 s11, $0x2;
	s16 =	sshrl.u32 s31, $0x2  }
0xa: {  	s5 =	sadd.s32 s2, s5;
	s14 =	ssub.s32 s9, s12;
	s9 =	sadd.s32 s30, s3  }
0xb: {  	s12 =	sadd.s32 s15, s13;
	s24 =	sadd.s32 s16, s3;
	s15 =	simm.s32 $0xA000  }
0xc: {  	s16 =	simm.s32 $0x5000;
	s6 =	sshrl.u32 s5, $0x3;
	s5 =	sadd.s32 $0x3E400, s7  }
0xd: {  	s10 =	sadd.s32 $0x4000, s9;
	s11 =	sadd.s32 $0x8000, s9;
	s13 =	smax.u32 s14, $0x1  }
0xe: {  	s14 =	simm.s32 $0x3;
	s24 =	sshrl.u32 s24, $0x3;
	s8 =	sadd.s32 s6, s7  }
0xf: {  	v0 =	vimm.f32 $0.0e+00;
	s6 =	sadd.s32 $0x2A400, s7;
	s7 =	sadd.s32 $0x8E400, s7;
	s8 =	sadd.s32 $0x16400, s8  }
.LBB2_1:
0x10: {  	[tilespmem:s4], [sflag:$0x3] =	stream.linear.gather [hbm4b:s8+s4], $0x4F00, $0x38;
	[tilespmem:$0x1C800] =	vst v63  }
0x11: {  	_ =	swait.ge [sflag:s14], $0x4F00  }
0x12: {  	[sflag:s14] =	ssyncset.done $0x0  }
0x13: {  	p1 =	por $0x1, $0x1;
	s26 =	simm.s32 $0x0;
	[sflag:s14] =	ssyncadd.s32 $0xFFFFB100  }
.LBB2_2:
0x14: {  	p0 =	por p1, p1;
	s28 =	simm.s32 $0x0;
	s29 =	simm.s32 $0x200  }
.LBB2_3:
0x15: {  	p1 =	sne.s32 s29, $0xFE00;
	[tilespmem:s28+$0xA070] =	vst v0  }
0x16: {  	[tilespmem:s28+$0xA000] =	vst v0  }
0x17: {  	[tilespmem:s28+$0xA010] =	vst v0  }
.Ltmp0:
0x18: {  	[tilespmem:s28+$0xA020] =	vst v0;
	(pc) =	sbr.rel @p1 .LBB2_3-.Ltmp0, $4  }
0x19: {  	[tilespmem:s28+$0xA030] =	vst v0  }
0x1a: {  	[tilespmem:s28+$0xA040] =	vst v0  }
0x1b: {  	[tilespmem:s28+$0xA050] =	vst v0  }
0x1c: {  	[tilespmem:s28+$0xA060] =	vst v0;
	s28 =	sshra.s32 s29, $0x2;
	s29 =	sadd.s32 $0x200, s29  }
0x1d: {  	[tilespmem:s28+$0xA070] =	vst v0  }
0x1e: {  	[tilespmem:s28+$0xA000] =	vst v0  }
0x1f: {  	[tilespmem:s28+$0xA010] =	vst v0  }
0x20: {  	[tilespmem:s28+$0xA020] =	vst v0  }
0x21: {  	[tilespmem:s28+$0xA030] =	vst v0  }
0x22: {  	[tilespmem:s28+$0xA040] =	vst v0  }
0x23: {  	[tilespmem:s28+$0xA050] =	vst v0  }
0x24: {  	[tilespmem:s28+$0xA060] =	vst v0  }
0x25: {  	[spmem:s9] =	stream.linear.scatter [tilespmem:s15], [sflag:$0x3], $0x4000, $0x38;
	[tilespmem:$0x1C800] =	vst v63  }
0x26: {  	_ =	swait.ge [sflag:s14], $0x4000  }
0x27: {  	[sflag:s14] =	ssyncset.done $0x0  }
0x28: {  	[sflag:s14] =	ssyncadd.s32 $0xFFFFC000  }
0x29: {  	[spmem:s10] =	stream.linear.scatter [tilespmem:s15], [sflag:$0x3], $0x4000, $0x38;
	[tilespmem:$0x1C800] =	vst v63  }
0x2a: {  	_ =	swait.ge [sflag:s14], $0x4000  }
0x2b: {  	[sflag:s14] =	ssyncset.done $0x0  }
0x2c: {  	s28 =	smul.u32 $0x50000, s26;
	[sflag:s14] =	ssyncadd.s32 $0xFFFFC000  }
0x2d: {  	[spmem:s11] =	stream.linear.scatter [tilespmem:s15], [sflag:$0x3], $0x2800, $0x38;
	[tilespmem:$0x1C800] =	vst v63  }
0x2e: {  	s28 =	sadd.s32 s2, s28;
	_ =	swait.ge [sflag:s14], $0x2800  }
0x2f: {  	s28 =	sshrl.u32 s28, $0x3;
	[sflag:s14] =	ssyncset.done $0x0  }
0x30: {  	s29 =	simm.s32 $0x0;
	s28 =	sadd.s32 s6, s28;
	[sflag:s14] =	ssyncadd.s32 $0xFFFFD800  }
0x31: {  	[tilespmem:s16], [sflag:$0x3] =	stream.linear.gather [hbm4b:s28+s29], $0x4F00, $0x38;
	[tilespmem:$0x1C800] =	vst v63  }
0x32: {  	_ =	swait.ge [sflag:s14], $0x4F00  }
0x33: {  	[sflag:s14] =	ssyncset.done $0x0  }
0x34: {  	[sflag:s14] =	ssyncadd.s32 $0xFFFFB100  }
0x35: {  	[bflag:$0x0] =	sbarrier.arrive $0xFFFF  }
0x36: {  	[tilespmem:s15], [sflag:$0x1] =	stream.indirect.gather [hbm4b:s5+s17], $0x80, s29, s17, $0xb8;
	[tilespmem:$0x1C800] =	vst v63  }
0x37: {  	s28 =	simm.s32 $0x80  }
0x38: {  	[tilespmem:s18], [sflag:$0x2] =	stream.indirect.gather [hbm4b:s5+s17], $0x80, s28, s17, $0xb8;
	[tilespmem:$0x1C800] =	vst v63  }
0x39: {  	_ =	swait.ge [sflag:s19], $0x4000  }
0x3a: {  	[sflag:s19] =	ssyncset.done $0x0  }
0x3b: {  	s28 =	simm.s32 $0x5000;
	[sflag:s19] =	ssyncadd.s32 $0xFFFFC000  }
0x3c: {  	[spmem:s3] =	stream.indirect.scatter.add.f32 [tilespmem:s15], [sflag:$0x3], $0x80, s28, s17, $0xb8;
	[tilespmem:$0x1C800] =	vst v63  }
0x3d: {  	_ =	swait.ge [sflag:s14], $0x4000  }
0x3e: {  	[sflag:s14] =	ssyncset.done $0x0  }
0x3f: {  	s28 =	simm.s32 $0x100;
	[sflag:s14] =	ssyncadd.s32 $0xFFFFC000  }
0x40: {  	[tilespmem:s15], [sflag:$0x1] =	stream.indirect.gather [hbm4b:s5+s17], $0x80, s28, s17, $0xb8;
	[tilespmem:$0x1C800] =	vst v63  }
0x41: {  	_ =	swait.ge [sflag:s20], $0x4000  }
0x42: {  	[sflag:s20] =	ssyncset.done $0x0  }
0x43: {  	s28 =	simm.s32 $0x5080;
	[sflag:s20] =	ssyncadd.s32 $0xFFFFC000  }
0x44: {  	[spmem:s3] =	stream.indirect.scatter.add.f32 [tilespmem:s18], [sflag:$0x3], $0x80, s28, s17, $0xb8;
	[tilespmem:$0x1C800] =	vst v63  }
0x45: {  	_ =	swait.ge [sflag:s14], $0x4000  }
0x46: {  	s29 =	simm.s32 $0x800;
	s28 =	simm.s32 $0x100;
	[sflag:s14] =	ssyncset.done $0x0  }
.LBB2_5:
0x47: {  	s30 =	sadd.s32 $0x80, s28  }
0x48: {  	[sflag:s14] =	ssyncadd.s32 $0xFFFFC000;
	s31 =	smov.u32 s29;
	s1 =	sadd.s32 $0x400, s29  }
0x49: {  	[tilespmem:s18], [sflag:$0x2] =	stream.indirect.gather [hbm4b:s5+s17], $0x80, s30, s17, $0xb8;
	[tilespmem:$0x1C800] =	vst v63  }
0x4a: {  	p1 =	sne.s32 s29, $0x13400;
	_ =	swait.ge [sflag:s19], $0x4000  }
0x4b: {  	[sflag:s19] =	ssyncset.done $0x0  }
0x4c: {  	s29 =	sadd.s32 $0x5000, s28;
	[sflag:s19] =	ssyncadd.s32 $0xFFFFC000  }
0x4d: {  	[spmem:s3] =	stream.indirect.scatter.add.f32 [tilespmem:s15], [sflag:$0x3], $0x80, s29, s17, $0xb8;
	[tilespmem:$0x1C800] =	vst v63  }
0x4e: {  	_ =	swait.ge [sflag:s14], $0x4000  }
0x4f: {  	[sflag:s14] =	ssyncset.done $0x0  }
0x50: {  	s29 =	sadd.s32 $0x100, s28;
	[sflag:s14] =	ssyncadd.s32 $0xFFFFC000  }
0x51: {  	[tilespmem:s15], [sflag:$0x1] =	stream.indirect.gather [hbm4b:s5+s17], $0x80, s29, s17, $0xb8;
	[tilespmem:$0x1C800] =	vst v63  }
0x52: {  	_ =	swait.ge [sflag:s20], $0x4000  }
.Ltmp1:
0x53: {  	[sflag:s20] =	ssyncset.done $0x0;
	(pc) =	sbr.rel @p1 .LBB2_5-.Ltmp1, $4  }
0x54: {  	s28 =	sadd.s32 $0x5080, s28;
	[sflag:s20] =	ssyncadd.s32 $0xFFFFC000  }
0x55: {  	[spmem:s3] =	stream.indirect.scatter.add.f32 [tilespmem:s18], [sflag:$0x3], $0x80, s28, s17, $0xb8;
	[tilespmem:$0x1C800] =	vst v63  }
0x56: {  	_ =	swait.ge [sflag:s14], $0x4000  }
0x57: {  	s29 =	smov.u32 s1;
	s28 =	sshra.s32 s31, $0x2;
	[sflag:s14] =	ssyncset.done $0x0  }
0x58: {  	s1 =	sadd.s32 $0x80, s28;
	[sflag:s14] =	ssyncadd.s32 $0xFFFFC000  }
0x59: {  	[tilespmem:s18], [sflag:$0x2] =	stream.indirect.gather [hbm4b:s5+s17], $0x80, s1, s17, $0xb8;
	[tilespmem:$0x1C800] =	vst v63  }
0x5a: {  	_ =	swait.ge [sflag:s19], $0x4000  }
0x5b: {  	[sflag:s19] =	ssyncset.done $0x0  }
0x5c: {  	s30 =	sadd.s32 $0x5000, s28;
	[sflag:s19] =	ssyncadd.s32 $0xFFFFC000  }
0x5d: {  	[spmem:s3] =	stream.indirect.scatter.add.f32 [tilespmem:s15], [sflag:$0x3], $0x80, s30, s17, $0xb8;
	[tilespmem:$0x1C800] =	vst v63  }
0x5e: {  	_ =	swait.ge [sflag:s14], $0x4000  }
0x5f: {  	[sflag:s14] =	ssyncset.done $0x0  }
0x60: {  	s31 =	sadd.s32 $0x100, s28;
	[sflag:s14] =	ssyncadd.s32 $0xFFFFC000  }
0x61: {  	[tilespmem:s15], [sflag:$0x1] =	stream.indirect.gather [hbm4b:s5+s17], $0x80, s31, s17, $0xb8;
	[tilespmem:$0x1C800] =	vst v63  }
0x62: {  	_ =	swait.ge [sflag:s20], $0x4000  }
0x63: {  	[sflag:s20] =	ssyncset.done $0x0  }
0x64: {  	s28 =	sadd.s32 $0x5080, s28;
	[sflag:s20] =	ssyncadd.s32 $0xFFFFC000  }
0x65: {  	[spmem:s3] =	stream.indirect.scatter.add.f32 [tilespmem:s18], [sflag:$0x3], $0x80, s28, s17, $0xb8;
	[tilespmem:$0x1C800] =	vst v63  }
0x66: {  	_ =	swait.ge [sflag:s14], $0x4000  }
0x67: {  	[sflag:s14] =	ssyncset.done $0x0  }
0x68: {  	s29 =	simm.s32 $0x1;
	[sflag:s14] =	ssyncadd.s32 $0xFFFFC000  }
0x69: {  	[tilespmem:s18], [sflag:$0x2] =	stream.indirect.gather [hbm4b:s5+s17], $0x80, s21, s17, $0xb8;
	[tilespmem:$0x1C800] =	vst v63  }
0x6a: {  	_ =	swait.ge [sflag:s29], $0x4000  }
0x6b: {  	[sflag:s29] =	ssyncset.done $0x0  }
0x6c: {  	[sflag:s29] =	ssyncadd.s32 $0xFFFFC000  }
0x6d: {  	[spmem:s3] =	stream.indirect.scatter.add.f32 [tilespmem:s15], [sflag:$0x3], $0x80, s22, s17, $0xb8;
	[tilespmem:$0x1C800] =	vst v63  }
0x6e: {  	_ =	swait.ge [sflag:s14], $0x4000  }
0x6f: {  	[sflag:s14] =	ssyncset.done $0x0  }
0x70: {  	[sflag:s14] =	ssyncadd.s32 $0xFFFFC000  }
0x71: {  	_ =	swait.ge [sflag:s20], $0x4000  }
0x72: {  	[sflag:s20] =	ssyncset.done $0x0  }
0x73: {  	s30 =	smul.u32 $0xA0000, s26;
	[sflag:s20] =	ssyncadd.s32 $0xFFFFC000  }
0x74: {  	[spmem:s3] =	stream.indirect.scatter.add.f32 [tilespmem:s18], [sflag:$0x3], $0x80, s23, s17, $0xb8;
	[tilespmem:$0x1C800] =	vst v63  }
0x75: {  	_ =	swait.ge [sflag:s14], $0x4000  }
0x76: {  	s1 =	sadd.s32 s12, s30;
	[sflag:s14] =	ssyncset.done $0x0  }
0x77: {  	s1 =	sshrl.u32 s1, $0x3;
	s31 =	sshll.u32 s0, $0x6;
	[sflag:s14] =	ssyncadd.s32 $0xFFFFC000  }
0x78: {  	s1 =	sadd.s32 s7, s1;
	s26 =	sor.u32 $0x1C03, s31;
	[bflag:$0x0] =	sbarrier.arrive $0xFFFF  }
0x79: {  	[hbm:s1], [sflag:s26] =	dma.local [spmem:s24], $0x1400  }
.Ltmp2:
0x7a: {  	_ =	swait.ge [sflag:s14], $0x1400;
	(pc) =	sbr.rel @p0 .LBB2_2-.Ltmp2, $4  }
0x7b: {  	[sflag:s14] =	ssyncset.done $0x0  }
0x7c: {  	[sflag:s14] =	ssyncadd.s32 $0xFFFFEC00  }
0x7d: {  	[bflag:$0x0] =	sbarrier.arrive $0xFFFF  }
0x7e: {  	p1 =	por $0x0, $0x0;
	s26 =	simm.s32 $0x1  }
0x7f: {  	s25 =	sadd.s32 $0x1, s25  }
0x80: {  	p0 =	sne.s32 s25, s13  }
.Ltmp3:
0x81: {  	_ = 	snop;
	(pc) =	sbr.rel @p0 .LBB2_1-.Ltmp3, $1  }
0x82: {  	_ =	sdelay $0x3  }
0x83: {  	_ =	sfence.sel $0x180000  }
0x84: {  	[bflag:$0x0] =	sbarrier.arrive $0xFFFF  }
0x85: {  	_ =	strace $0x9000004A  }
0x86: {  	[bflag:$0x2] =	sbarrier.arrive $0xFFFF  }
0x87: {  	p0 =	sne.s32 s0, $0x0;
	s0 =	rddreg [dreg:$0x2]  }
0x88: {  	s0 =	sadd.s32 @!p0 $0x100000, s0  }
0x89: {  	[sflag:s0] =	ssyncadd.tile.s32 @!p0 $0x1;
	_ =	shalt  }
.Lfunc_end2:
_tile_overlayer_lowered:
.L_overlay_start_2:
0x8a: {  	(tag) =	ssettag $0x2  }
0x8b: {  	s0 =	rddreg [dreg:$0x0];
	s2 =	stileid.u32  }
0x8c: {  	s1 =	rddreg [dreg:$0x1];
	p0 =	sne.s32 s2, $0x0  }
0x8d: {  	s3 =	rddreg [dreg:$0x2];
	[bflag:$0x3] =	sbarrier.arrive $0xFFFF;
	s2 =	simm.s32 @!p0 $0x1C03  }
0x8e: {  	[timem:s3], [sflag:s2] =	dma.local @!p0 [hbm:s0], s1  }
0x8f: {  	s0 =	simm.s32 @!p0 $0x3  }
0x90: {  	_ =	swait.ge @!p0 [sflag:s0], s1  }
0x91: {  	s1 =	ssub.s32 @!p0 $0x0, s1;
	[sflag:s0] =	ssyncset.done @!p0 $0x0  }
0x92: {  	[sflag:s0] =	ssyncadd.s32 @!p0 s1  }
0x93: {  	[bflag:$0x3] =	sbarrier.arrive $0xFFFF  }
0x94: {  	_ =	shalt  }

// kernel: kernel.15.cloned.1.call-start
scs
__scs_entry_jumppad:
0x0: {  	(pc) =	sbr.rel $0x88, $3  }
0x1: {  	(tag) =	ssettag $0x0;
	lr =	simm.s32 $0x1  }
0x2: {  	[smem:$0x3F9B] =	sst lr;
	_ =	strace $0xD0000000  }
0x3: {  	_ = 	snop  }
0x4: {  	_ = 	snop  }
0x5: {  	_ = 	snop  }
0x6: {  	_ = 	snop  }
0x7: {  	_ = 	snop  }
__scs_overlays_trampoline_lowered:
0x8: {  	[smem:$0x3FAA] =	sst s0  }
0x9: {  	[smem:$0x3FAB] =	sst s1  }
0xa: {  	[smem:$0x3FAC] =	sst s2  }
0xb: {  	[smem:$0x3FAD] =	sst s3  }
0xc: {  	[smem:$0x3FAE] =	sst s4  }
0xd: {  	[smem:$0x3FAF] =	sst s5  }
0xe: {  	[smem:$0x3FB0] =	sst s6  }
0xf: {  	[smem:$0x3FB1] =	sst s7  }
0x10: {  	[smem:$0x3FB2] =	sst s8  }
0x11: {  	[smem:$0x3FB3] =	sst s9;
	s0 =	simm.s32 @!p0 $0x0  }
0x12: {  	s1 =	sld [smem:$0x3F99];
	s0 =	simm.s32 @p0 $0x1  }
0x13: {  	[smem:$0x3FB4] =	sst s0;
	s0 =	simm.s32 @!p1 $0x0  }
0x14: {  	s2 =	sld [smem:$0x3F98];
	s0 =	simm.s32 @p1 $0x1  }
0x15: {  	[smem:$0x3FB5] =	sst s0;
	s0 =	simm.s32 @!p2 $0x0  }
0x16: {  	s3 =	sld [smem:$0x3FDB];
	s0 =	simm.s32 @p2 $0x1  }
0x17: {  	s4 =	simm.s32 $0x1BF5;
	[smem:$0x3FB7] =	sst s0  }
0x18: {  	s0 =	sld [smem:$0x3F9A];
	_ =	swait.ge [sflag:s4], $0x0  }
0x19: {  	s7 =	sld [smem:$0x3F9B]  }
0x1a: {  	s8 =	sadd.s32 $0xFFFFE003, lr  }
0x1b: {  	s9 =	sadd.s32 $0xFFFFFEF7, lr;
	s5 =	simm.s32 $0xFFFFFFFF;
	p2 =	slt.u32 s8, $0xFFFFF086  }
0x1c: {  	p1 =	slt.u32 s9, $0xF7A;
	s5 =	simm.s32 @!p2 $0x0  }
0x1d: {  	s5 =	simm.s32 @p1 $0x1;
	p0 =	seq.s32 s7, s2  }
0x1e: {  	s7 =	smul.u32 @!p0 $0xF7A, s2;
	p2 =	seq.s32 @!p0 s5, $0x0  }
0x1f: {  	s9 =	smul.u32 $0xF7A, s1;
	s8 =	simm.s32 @!p0 $0x1BF5;
	p2 =	por !p2, p0  }
0x20: {  	[sflag:s8] =	ssyncset.s32 @!p0 $0xFFFFF086;
	s6 =	sadd.s32 @!p0 s3, s7;
	s7 =	simm.s32 @!p0 $0x108  }
0x21: {  	s3 =	sadd.s32 s3, s9;
	s6 =	sadd.s32 @!p0 $0x88, s6;
	s7 =	simm.s32 @p2 $0x1082  }
0x22: {  	[simem:s7], [sflag:s8] =	dma.local @!p0 [hbm:s6], $0xF7A  }
0x23: {  	s9 =	sor.u32 $0xD0000000, s2;
	s6 =	simm.s32 $0x108;
	_ =	swait.ge @!p0 [sflag:s8], $0x0  }
0x24: {  	s3 =	sadd.s32 $0x88, s3;
	s6 =	simm.s32 @!p1 $0x1082;
	[sflag:s4] =	ssyncset.s32 $0xFFFFF086  }
0x25: {  	[simem:s6], [sflag:s4] =	dma.local [hbm:s3], $0xF7A  }
0x26: {  	[smem:$0x3F9B] =	sst s1;
	(tag) =	ssettag s2;
	_ =	strace s9  }
0x27: {  	s1 =	sld [smem:$0x3FAB]  }
0x28: {  	s2 =	sld [smem:$0x3FAC]  }
0x29: {  	s4 =	sld [smem:$0x3FAE]  }
0x2a: {  	p0 =	seq.s32 s5, $0x0;
	s5 =	sld [smem:$0x3FAF]  }
0x2b: {  	s6 =	sld [smem:$0x3FB0]  }
0x2c: {  	s7 =	sld [smem:$0x3FB1]  }
0x2d: {  	s3 =	simm.s32 $0x108;
	s8 =	sld [smem:$0x3FB2]  }
0x2e: {  	s3 =	simm.s32 @!p0 $0x1082;
	s9 =	sld [smem:$0x3FB3]  }
0x2f: {  	lr =	sadd.s32 s0, s3;
	s0 =	sld [smem:$0x3FAA]  }
0x30: {  	s3 =	sld [smem:$0x3FAD]  }
0x31: {  	[smem:$0x3FB6] =	sst s10  }
0x32: {  	s10 =	sld [smem:$0x3FB4];
	_ =	sdelay $0x3  }
0x33: {  	p0 =	seq.s32 s10, $0x1;
	s10 =	sld [smem:$0x3FB6];
	_ =	sdelay $0x3  }
0x34: {  	[smem:$0x3FB6] =	sst s10  }
0x35: {  	s10 =	sld [smem:$0x3FB5];
	_ =	sdelay $0x3  }
0x36: {  	p1 =	seq.s32 s10, $0x1;
	s10 =	sld [smem:$0x3FB6];
	_ =	sdelay $0x3  }
0x37: {  	[smem:$0x3FB6] =	sst s10  }
0x38: {  	s10 =	sld [smem:$0x3FB7]  }
0x39: {  	_ = 	snop;
	(pc) =	sbr.ind lr, $3  }
0x3a: {  	_ = 	snop  }
0x3b: {  	_ = 	snop  }
0x3c: {  	p2 =	seq.s32 s10, $0x1;
	s10 =	sld [smem:$0x3FB6]  }
0x3d: {  	_ =	shalt  }
0x3e: {  	_ =	shalt  }
0x3f: {  	_ =	shalt  }
0x40: {  	_ =	shalt  }
0x41: {  	_ =	shalt  }
0x42: {  	_ =	shalt  }
0x43: {  	_ =	shalt  }
0x44: {  	_ =	shalt  }
0x45: {  	_ =	shalt  }
0x46: {  	_ =	shalt  }
0x47: {  	_ =	shalt  }
0x48: {  	_ =	shalt  }
0x49: {  	_ =	shalt  }
0x4a: {  	_ =	shalt  }
0x4b: {  	_ =	shalt  }
0x4c: {  	_ =	shalt  }
0x4d: {  	_ =	shalt  }
0x4e: {  	_ =	shalt  }
0x4f: {  	_ =	shalt  }
0x50: {  	_ =	shalt  }
0x51: {  	_ =	shalt  }
0x52: {  	_ =	shalt  }
0x53: {  	_ =	shalt  }
0x54: {  	_ =	shalt  }
0x55: {  	_ =	shalt  }
0x56: {  	_ =	shalt  }
0x57: {  	_ =	shalt  }
0x58: {  	_ =	shalt  }
0x59: {  	_ =	shalt  }
0x5a: {  	_ =	shalt  }
0x5b: {  	_ =	shalt  }
0x5c: {  	_ =	shalt  }
0x5d: {  	_ =	shalt  }
0x5e: {  	_ =	shalt  }
0x5f: {  	_ =	shalt  }
0x60: {  	_ =	shalt  }
0x61: {  	_ =	shalt  }
0x62: {  	_ =	shalt  }
0x63: {  	_ =	shalt  }
0x64: {  	_ =	shalt  }
0x65: {  	_ =	shalt  }
0x66: {  	_ =	shalt  }
0x67: {  	_ =	shalt  }
0x68: {  	_ =	shalt  }
0x69: {  	_ =	shalt  }
0x6a: {  	_ =	shalt  }
0x6b: {  	_ =	shalt  }
0x6c: {  	_ =	shalt  }
0x6d: {  	_ =	shalt  }
0x6e: {  	_ =	shalt  }
0x6f: {  	_ =	shalt  }
0x70: {  	_ =	shalt  }
0x71: {  	_ =	shalt  }
0x72: {  	_ =	shalt  }
0x73: {  	_ =	shalt  }
0x74: {  	_ =	shalt  }
0x75: {  	_ =	shalt  }
0x76: {  	_ =	shalt  }
0x77: {  	_ =	shalt  }
0x78: {  	_ =	shalt  }
0x79: {  	_ =	shalt  }
0x7a: {  	_ =	shalt  }
0x7b: {  	_ =	shalt  }
0x7c: {  	_ =	shalt  }
0x7d: {  	_ =	shalt  }
0x7e: {  	_ =	shalt  }
0x7f: {  	_ =	shalt  }
0x80: {  	_ =	shalt  }
0x81: {  	_ =	shalt  }
0x82: {  	_ =	shalt  }
0x83: {  	_ =	shalt  }
0x84: {  	_ =	shalt  }
0x85: {  	_ =	shalt  }
0x86: {  	_ =	shalt  }
0x87: {  	_ =	shalt  }
.Lfunc_end0:
.L_simem_size_0:
called_computation.2_lowered:
.L_overlay_start_0:
0x88: {  	s2 =	sld [smem:$0x3FD9]  }
0x89: {  	s3 =	sld [smem:$0x3FFE];
	_ =	sdelay $0x1  }
0x8a: {  	s1 =	srdreg.scid  }
0x8b: {  	s0 =	sand.u32 $0x1, s1  }
0x8c: {  	s16 =	sshll.u32 s0, $0xA;
	s2 =	sadd.s32 s3, s2  }
0x8d: {  	s2 =	sadd.s32 s2, s16  }
0x8e: {  	[smem:$0x3FC2] =	sst s2  }
0x8f: {  	_ = 	snop  }
0x90: {  	(tm) =	ssettm $0x1  }
0x91: {  	s17 =	sld [smem:$0x3FFB];
	_ =	sdelay $0x3  }
0x92: {  	_ =	strace s17  }
0x93: {  	s2 =	sld [smem:$0x3FFC];
	_ =	sdelay $0x3  }
0x94: {  	_ =	strace s2  }
0x95: {  	s2 =	sld [smem:$0x3FFD];
	_ =	sdelay $0x3  }
0x96: {  	_ =	strace s2  }
0x97: {  	_ =	strace $0x8FFFFFFF  }
0x98: {  	s18 =	sld [smem:$0x3FDB];
	_ =	sdelay $0x1  }
0x99: {  	s19 =	simm.s32 $_scs_section_size  }
0x9a: {  	s4 =	simm.s32 $_size__tile_overlayer_lowered;
	s5 =	simm.s32 $_tile_overlayer_lowered  }
0x9b: {  	s22 =	simm.s32 $0x1BFF;
	s21 =	sshll.u32 s5, $0x1;
	s2 =	sadd.s32 s19, s18  }
0x9c: {  	s6 =	simm.s32 $0x0;
	s20 =	sshll.u32 s4, $0x1;
	s4 =	sadd.s32 s21, s2  }
0x9d: {  	[timem:s6], [sflag:s22] =	dma.local [hbm:s4], s20  }
0x9e: {  	_ =	swait.ge [sflag:s22], s20  }
0x9f: {  	s3 =	ssub.s32 $0x0, s20;
	[sflag:s22] =	ssyncset.done $0x0  }
0xa0: {  	[sflag:s22] =	ssyncadd.s32 s3;
	_ =	sdelay $0x1  }
0xa1: {  	s23 =	simm.s32 $0x1B8B  }
0xa2: {  	_ =	swait.ge [sflag:s23], $0x1  }
0xa3: {  	[sflag:s23] =	ssyncset.done $0x0  }
0xa4: {  	s25 =	simm.s32 $0x1B8E;
	s24 =	sld [smem:$0x3FFE];
	[sflag:s23] =	ssyncadd.s32 $0xFFFFFFFF  }
0xa5: {  	s26 =	simm.s32 $execute0_lowered;
	[smem:$0x3FD2] =	sst s25  }
0xa6: {  	s4 =	sshll.u32 s26, $0x1;
	_ =	strace $0x8000004C;
	[dreg:$0x1] =	wrdreg $0xFFFFFFFF  }
0xa7: {  	s28 =	simm.s32 $_size_execute0_lowered;
	s2 =	sadd.s32 s2, s4;
	[dreg:$0x0] =	wrdreg $0x0  }
0xa8: {  	s4 =	sshll.u32 s28, $0x1;
	[dreg:$0x2] =	wrdreg s2  }
0xa9: {  	[dreg:$0x3] =	wrdreg s4  }
0xaa: {  	[dreg:$0x4] =	wrdreg $0xC0  }
0xab: {  	_ =	task [dreg:s6], $0x5FFFF  }
0xac: {  	[dreg:$0x1] =	wrdreg $0xFFFFFFFF  }
0xad: {  	[dreg:$0x0] =	wrdreg $0x60  }
0xae: {  	[dreg:$0x2] =	wrdreg s24  }
0xaf: {  	[dreg:$0x3] =	wrdreg $0x120000  }
0xb0: {  	[dreg:$0x4] =	wrdreg $0x9  }
0xb1: {  	_ =	task.clear_ibuf [dreg:s6], $0x5FFFF;
	_ =	strace $0x9000004C  }
0xb2: {  	s29 =	simm.s32 $0x9;
	_ =	strace $0x8000004E  }
0xb3: {  	_ =	swait.ge [sflag:s29], $0x1  }
0xb4: {  	[sflag:s29] =	ssyncadd.s32 $0xFFFFFFFF  }
0xb5: {  	_ =	strace $0x9000004E  }
0xb6: {  	_ =	sfence  }
0xb7: {  	s30 =	sld [smem:$0x0];
	_ =	sdelay $0x2  }
0xb8: {  	s31 =	sshll.u32 s1, $0xD;
	s1 =	sshrl.u32 s1, $0x2  }
0xb9: {  	s3 =	sand.u32 $0x4000, s31;
	s1 =	sadd.s32 s1, s30  }
0xba: {  	s0 =	sor.u32 s3, s0;
	s1 =	sshll.u32 s1, $0x11  }
0xbb: {  	s0 =	sor.u32 s1, s0  }
0xbc: {  	s0 =	sadd.s32 $0x8F2B, s0  }
0xbd: {  	[sflag:s0] =	ssyncadd.remote.s32 $0x1  }
0xbe: {  	_ =	sfence.sel $0xFFFF  }
0xbf: {  	[dreg:$0x0] =	wrdreg $0xFFFFFFFF;
	(pc) =	sbr.abs _section_cstart, $3  }
0xc0: {  	[dreg:$0x1] =	wrdreg $0xFFFFFFFF  }
0xc1: {  	_ =	task.clear_ibuf [dreg:s6], $0x2FFFF;
	_ =	strace $0x9FFFFFFF  }
0xc2: {  	(tm) =	ssettm $0x7FFFFFFF  }
0xc3: {  	_ =	shalt  }
tec
execute0_lowered:
.L_overlay_start_1:
0x0: {  	(tag) =	ssettag $0x1  }
0x1: {  	s1 =	srdreg.scid;
	s7 =	rddreg [dreg:$0x0]  }
0x2: {  	s0 =	stileid.u32;
	s3 =	rddreg [dreg:$0x1];
	s4 =	simm.s32 $0x0  }
0x3: {  	s17 =	simm.s32 $0x80;
	s18 =	simm.s32 $0xE000;
	s2 =	smul.u32 $0x5000, s0  }
0x4: {  	s19 =	simm.s32 $0x1;
	s20 =	simm.s32 $0x2;
	s11 =	smul.u32 $0x2A000, s0  }
0x5: {  	s21 =	simm.s32 $0x4E80;
	s22 =	simm.s32 $0x9E00;
	s13 =	smul.u32 $0xA000, s0  }
0x6: {  	s23 =	simm.s32 $0x9E80;
	s10 =	sand.u32 $0x1, s1;
	s31 =	smul.u32 $0x28000, s0  }
0x7: {  	s25 =	simm.s32 $0x0;
	[smem:$0x7FF] =	sst s4;
	s5 =	smul.u32 $0x50000, s10  }
0x8: {  	_ =	strace $0x8000004D;
	s9 =	ssub.s32 $0x2, s10;
	s15 =	smul.u32 $0x140000, s10  }
0x9: {  	s12 =	sshrl.u32 s9, $0x1;
	s30 =	sshrl.u32 s11, $0x2;
	s16 =	sshrl.u32 s31, $0x2  }
0xa: {  	s5 =	sadd.s32 s2, s5;
	s14 =	ssub.s32 s9, s12;
	s9 =	sadd.s32 s30, s3  }
0xb: {  	s12 =	sadd.s32 s15, s13;
	s24 =	sadd.s32 s16, s3;
	s15 =	simm.s32 $0xA000  }
0xc: {  	s16 =	simm.s32 $0x5000;
	s6 =	sshrl.u32 s5, $0x3;
	s5 =	sadd.s32 $0x3E400, s7  }
0xd: {  	s10 =	sadd.s32 $0x4000, s9;
	s11 =	sadd.s32 $0x8000, s9;
	s13 =	smax.u32 s14, $0x1  }
0xe: {  	s14 =	simm.s32 $0x3;
	s24 =	sshrl.u32 s24, $0x3;
	s8 =	sadd.s32 s6, s7  }
0xf: {  	v0 =	vimm.f32 $0.0e+00;
	s6 =	sadd.s32 $0x2A400, s7;
	s7 =	sadd.s32 $0x8E400, s7;
	s8 =	sadd.s32 $0x16400, s8  }
.LBB2_1:
0x10: {  	[tilespmem:s4], [sflag:$0x3] =	stream.linear.gather [hbm4b:s8+s4], $0x4F00, $0x38;
	[tilespmem:$0x1C800] =	vst v63  }
0x11: {  	_ =	swait.ge [sflag:s14], $0x4F00  }
0x12: {  	[sflag:s14] =	ssyncset.done $0x0  }
0x13: {  	p1 =	por $0x1, $0x1;
	s26 =	simm.s32 $0x0;
	[sflag:s14] =	ssyncadd.s32 $0xFFFFB100  }
.LBB2_2:
0x14: {  	p0 =	por p1, p1;
	s28 =	simm.s32 $0x0;
	s29 =	simm.s32 $0x200  }
.LBB2_3:
0x15: {  	p1 =	sne.s32 s29, $0xFE00;
	[tilespmem:s28+$0xA070] =	vst v0  }
0x16: {  	[tilespmem:s28+$0xA000] =	vst v0  }
0x17: {  	[tilespmem:s28+$0xA010] =	vst v0  }
.Ltmp0:
0x18: {  	[tilespmem:s28+$0xA020] =	vst v0;
	(pc) =	sbr.rel @p1 .LBB2_3-.Ltmp0, $4  }
0x19: {  	[tilespmem:s28+$0xA030] =	vst v0  }
0x1a: {  	[tilespmem:s28+$0xA040] =	vst v0  }
0x1b: {  	[tilespmem:s28+$0xA050] =	vst v0  }
0x1c: {  	[tilespmem:s28+$0xA060] =	vst v0;
	s28 =	sshra.s32 s29, $0x2;
	s29 =	sadd.s32 $0x200, s29  }
0x1d: {  	[tilespmem:s28+$0xA070] =	vst v0  }
0x1e: {  	[tilespmem:s28+$0xA000] =	vst v0  }
0x1f: {  	[tilespmem:s28+$0xA010] =	vst v0  }
0x20: {  	[tilespmem:s28+$0xA020] =	vst v0  }
0x21: {  	[tilespmem:s28+$0xA030] =	vst v0  }
0x22: {  	[tilespmem:s28+$0xA040] =	vst v0  }
0x23: {  	[tilespmem:s28+$0xA050] =	vst v0  }
0x24: {  	[tilespmem:s28+$0xA060] =	vst v0  }
0x25: {  	[spmem:s9] =	stream.linear.scatter [tilespmem:s15], [sflag:$0x3], $0x4000, $0x38;
	[tilespmem:$0x1C800] =	vst v63  }
0x26: {  	_ =	swait.ge [sflag:s14], $0x4000  }
0x27: {  	[sflag:s14] =	ssyncset.done $0x0  }
0x28: {  	[sflag:s14] =	ssyncadd.s32 $0xFFFFC000  }
0x29: {  	[spmem:s10] =	stream.linear.scatter [tilespmem:s15], [sflag:$0x3], $0x4000, $0x38;
	[tilespmem:$0x1C800] =	vst v63  }
0x2a: {  	_ =	swait.ge [sflag:s14], $0x4000  }
0x2b: {  	[sflag:s14] =	ssyncset.done $0x0  }
0x2c: {  	s28 =	smul.u32 $0x50000, s26;
	[sflag:s14] =	ssyncadd.s32 $0xFFFFC000  }
0x2d: {  	[spmem:s11] =	stream.linear.scatter [tilespmem:s15], [sflag:$0x3], $0x2800, $0x38;
	[tilespmem:$0x1C800] =	vst v63  }
0x2e: {  	s28 =	sadd.s32 s2, s28;
	_ =	swait.ge [sflag:s14], $0x2800  }
0x2f: {  	s28 =	sshrl.u32 s28, $0x3;
	[sflag:s14] =	ssyncset.done $0x0  }
0x30: {  	s29 =	simm.s32 $0x0;
	s28 =	sadd.s32 s6, s28;
	[sflag:s14] =	ssyncadd.s32 $0xFFFFD800  }
0x31: {  	[tilespmem:s16], [sflag:$0x3] =	stream.linear.gather [hbm4b:s28+s29], $0x4F00, $0x38;
	[tilespmem:$0x1C800] =	vst v63  }
0x32: {  	_ =	swait.ge [sflag:s14], $0x4F00  }
0x33: {  	[sflag:s14] =	ssyncset.done $0x0  }
0x34: {  	[sflag:s14] =	ssyncadd.s32 $0xFFFFB100  }
0x35: {  	[bflag:$0x0] =	sbarrier.arrive $0xFFFF  }
0x36: {  	[tilespmem:s15], [sflag:$0x1] =	stream.indirect.gather [hbm4b:s5+s17], $0x80, s29, s17, $0xb8;
	[tilespmem:$0x1C800] =	vst v63  }
0x37: {  	s28 =	simm.s32 $0x80  }
0x38: {  	[tilespmem:s18], [sflag:$0x2] =	stream.indirect.gather [hbm4b:s5+s17], $0x80, s28, s17, $0xb8;
	[tilespmem:$0x1C800] =	vst v63  }
0x39: {  	_ =	swait.ge [sflag:s19], $0x4000  }
0x3a: {  	[sflag:s19] =	ssyncset.done $0x0  }
0x3b: {  	s28 =	simm.s32 $0x5000;
	[sflag:s19] =	ssyncadd.s32 $0xFFFFC000  }
0x3c: {  	[spmem:s3] =	stream.indirect.scatter.add.f32 [tilespmem:s15], [sflag:$0x3], $0x80, s28, s17, $0xb8;
	[tilespmem:$0x1C800] =	vst v63  }
0x3d: {  	_ =	swait.ge [sflag:s14], $0x4000  }
0x3e: {  	[sflag:s14] =	ssyncset.done $0x0  }
0x3f: {  	s28 =	simm.s32 $0x100;
	[sflag:s14] =	ssyncadd.s32 $0xFFFFC000  }
0x40: {  	[tilespmem:s15], [sflag:$0x1] =	stream.indirect.gather [hbm4b:s5+s17], $0x80, s28, s17, $0xb8;
	[tilespmem:$0x1C800] =	vst v63  }
0x41: {  	_ =	swait.ge [sflag:s20], $0x4000  }
0x42: {  	[sflag:s20] =	ssyncset.done $0x0  }
0x43: {  	s28 =	simm.s32 $0x5080;
	[sflag:s20] =	ssyncadd.s32 $0xFFFFC000  }
0x44: {  	[spmem:s3] =	stream.indirect.scatter.add.f32 [tilespmem:s18], [sflag:$0x3], $0x80, s28, s17, $0xb8;
	[tilespmem:$0x1C800] =	vst v63  }
0x45: {  	_ =	swait.ge [sflag:s14], $0x4000  }
0x46: {  	s29 =	simm.s32 $0x800;
	s28 =	simm.s32 $0x100;
	[sflag:s14] =	ssyncset.done $0x0  }
.LBB2_5:
0x47: {  	s30 =	sadd.s32 $0x80, s28  }
0x48: {  	[sflag:s14] =	ssyncadd.s32 $0xFFFFC000;
	s31 =	smov.u32 s29;
	s1 =	sadd.s32 $0x400, s29  }
0x49: {  	[tilespmem:s18], [sflag:$0x2] =	stream.indirect.gather [hbm4b:s5+s17], $0x80, s30, s17, $0xb8;
	[tilespmem:$0x1C800] =	vst v63  }
0x4a: {  	p1 =	sne.s32 s29, $0x13400;
	_ =	swait.ge [sflag:s19], $0x4000  }
0x4b: {  	[sflag:s19] =	ssyncset.done $0x0  }
0x4c: {  	s29 =	sadd.s32 $0x5000, s28;
	[sflag:s19] =	ssyncadd.s32 $0xFFFFC000  }
0x4d: {  	[spmem:s3] =	stream.indirect.scatter.add.f32 [tilespmem:s15], [sflag:$0x3], $0x80, s29, s17, $0xb8;
	[tilespmem:$0x1C800] =	vst v63  }
0x4e: {  	_ =	swait.ge [sflag:s14], $0x4000  }
0x4f: {  	[sflag:s14] =	ssyncset.done $0x0  }
0x50: {  	s29 =	sadd.s32 $0x100, s28;
	[sflag:s14] =	ssyncadd.s32 $0xFFFFC000  }
0x51: {  	[tilespmem:s15], [sflag:$0x1] =	stream.indirect.gather [hbm4b:s5+s17], $0x80, s29, s17, $0xb8;
	[tilespmem:$0x1C800] =	vst v63  }
0x52: {  	_ =	swait.ge [sflag:s20], $0x4000  }
.Ltmp1:
0x53: {  	[sflag:s20] =	ssyncset.done $0x0;
	(pc) =	sbr.rel @p1 .LBB2_5-.Ltmp1, $4  }
0x54: {  	s28 =	sadd.s32 $0x5080, s28;
	[sflag:s20] =	ssyncadd.s32 $0xFFFFC000  }
0x55: {  	[spmem:s3] =	stream.indirect.scatter.add.f32 [tilespmem:s18], [sflag:$0x3], $0x80, s28, s17, $0xb8;
	[tilespmem:$0x1C800] =	vst v63  }
0x56: {  	_ =	swait.ge [sflag:s14], $0x4000  }
0x57: {  	s29 =	smov.u32 s1;
	s28 =	sshra.s32 s31, $0x2;
	[sflag:s14] =	ssyncset.done $0x0  }
0x58: {  	s1 =	sadd.s32 $0x80, s28;
	[sflag:s14] =	ssyncadd.s32 $0xFFFFC000  }
0x59: {  	[tilespmem:s18], [sflag:$0x2] =	stream.indirect.gather [hbm4b:s5+s17], $0x80, s1, s17, $0xb8;
	[tilespmem:$0x1C800] =	vst v63  }
0x5a: {  	_ =	swait.ge [sflag:s19], $0x4000  }
0x5b: {  	[sflag:s19] =	ssyncset.done $0x0  }
0x5c: {  	s30 =	sadd.s32 $0x5000, s28;
	[sflag:s19] =	ssyncadd.s32 $0xFFFFC000  }
0x5d: {  	[spmem:s3] =	stream.indirect.scatter.add.f32 [tilespmem:s15], [sflag:$0x3], $0x80, s30, s17, $0xb8;
	[tilespmem:$0x1C800] =	vst v63  }
0x5e: {  	_ =	swait.ge [sflag:s14], $0x4000  }
0x5f: {  	[sflag:s14] =	ssyncset.done $0x0  }
0x60: {  	s31 =	sadd.s32 $0x100, s28;
	[sflag:s14] =	ssyncadd.s32 $0xFFFFC000  }
0x61: {  	[tilespmem:s15], [sflag:$0x1] =	stream.indirect.gather [hbm4b:s5+s17], $0x80, s31, s17, $0xb8;
	[tilespmem:$0x1C800] =	vst v63  }
0x62: {  	_ =	swait.ge [sflag:s20], $0x4000  }
0x63: {  	[sflag:s20] =	ssyncset.done $0x0  }
0x64: {  	s28 =	sadd.s32 $0x5080, s28;
	[sflag:s20] =	ssyncadd.s32 $0xFFFFC000  }
0x65: {  	[spmem:s3] =	stream.indirect.scatter.add.f32 [tilespmem:s18], [sflag:$0x3], $0x80, s28, s17, $0xb8;
	[tilespmem:$0x1C800] =	vst v63  }
0x66: {  	_ =	swait.ge [sflag:s14], $0x4000  }
0x67: {  	[sflag:s14] =	ssyncset.done $0x0  }
0x68: {  	s29 =	simm.s32 $0x1;
	[sflag:s14] =	ssyncadd.s32 $0xFFFFC000  }
0x69: {  	[tilespmem:s18], [sflag:$0x2] =	stream.indirect.gather [hbm4b:s5+s17], $0x80, s21, s17, $0xb8;
	[tilespmem:$0x1C800] =	vst v63  }
0x6a: {  	_ =	swait.ge [sflag:s29], $0x4000  }
0x6b: {  	[sflag:s29] =	ssyncset.done $0x0  }
0x6c: {  	[sflag:s29] =	ssyncadd.s32 $0xFFFFC000  }
0x6d: {  	[spmem:s3] =	stream.indirect.scatter.add.f32 [tilespmem:s15], [sflag:$0x3], $0x80, s22, s17, $0xb8;
	[tilespmem:$0x1C800] =	vst v63  }
0x6e: {  	_ =	swait.ge [sflag:s14], $0x4000  }
0x6f: {  	[sflag:s14] =	ssyncset.done $0x0  }
0x70: {  	[sflag:s14] =	ssyncadd.s32 $0xFFFFC000  }
0x71: {  	_ =	swait.ge [sflag:s20], $0x4000  }
0x72: {  	[sflag:s20] =	ssyncset.done $0x0  }
0x73: {  	s30 =	smul.u32 $0xA0000, s26;
	[sflag:s20] =	ssyncadd.s32 $0xFFFFC000  }
0x74: {  	[spmem:s3] =	stream.indirect.scatter.add.f32 [tilespmem:s18], [sflag:$0x3], $0x80, s23, s17, $0xb8;
	[tilespmem:$0x1C800] =	vst v63  }
0x75: {  	_ =	swait.ge [sflag:s14], $0x4000  }
0x76: {  	s1 =	sadd.s32 s12, s30;
	[sflag:s14] =	ssyncset.done $0x0  }
0x77: {  	s1 =	sshrl.u32 s1, $0x3;
	s31 =	sshll.u32 s0, $0x6;
	[sflag:s14] =	ssyncadd.s32 $0xFFFFC000  }
0x78: {  	s1 =	sadd.s32 s7, s1;
	s26 =	sor.u32 $0x1C03, s31;
	[bflag:$0x0] =	sbarrier.arrive $0xFFFF  }
0x79: {  	[hbm:s1], [sflag:s26] =	dma.local [spmem:s24], $0x1400  }
.Ltmp2:
0x7a: {  	_ =	swait.ge [sflag:s14], $0x1400;
	(pc) =	sbr.rel @p0 .LBB2_2-.Ltmp2, $4  }
0x7b: {  	[sflag:s14] =	ssyncset.done $0x0  }
0x7c: {  	[sflag:s14] =	ssyncadd.s32 $0xFFFFEC00  }
0x7d: {  	[bflag:$0x0] =	sbarrier.arrive $0xFFFF  }
0x7e: {  	p1 =	por $0x0, $0x0;
	s26 =	simm.s32 $0x1  }
0x7f: {  	s25 =	sadd.s32 $0x1, s25  }
0x80: {  	p0 =	sne.s32 s25, s13  }
.Ltmp3:
0x81: {  	_ = 	snop;
	(pc) =	sbr.rel @p0 .LBB2_1-.Ltmp3, $1  }
0x82: {  	_ =	sdelay $0x3  }
0x83: {  	_ =	sfence.sel $0x180000  }
0x84: {  	[bflag:$0x0] =	sbarrier.arrive $0xFFFF  }
0x85: {  	_ =	strace $0x9000004D  }
0x86: {  	[bflag:$0x2] =	sbarrier.arrive $0xFFFF  }
0x87: {  	p0 =	sne.s32 s0, $0x0;
	s0 =	rddreg [dreg:$0x2]  }
0x88: {  	s0 =	sadd.s32 @!p0 $0x100000, s0  }
0x89: {  	[sflag:s0] =	ssyncadd.tile.s32 @!p0 $0x1;
	_ =	shalt  }
.Lfunc_end2:
_tile_overlayer_lowered:
.L_overlay_start_2:
0x8a: {  	(tag) =	ssettag $0x2  }
0x8b: {  	s0 =	rddreg [dreg:$0x0];
	s2 =	stileid.u32  }
0x8c: {  	s1 =	rddreg [dreg:$0x1];
	p0 =	sne.s32 s2, $0x0  }
0x8d: {  	s3 =	rddreg [dreg:$0x2];
	[bflag:$0x3] =	sbarrier.arrive $0xFFFF;
	s2 =	simm.s32 @!p0 $0x1C03  }
0x8e: {  	[timem:s3], [sflag:s2] =	dma.local @!p0 [hbm:s0], s1  }
0x8f: {  	s0 =	simm.s32 @!p0 $0x3  }
0x90: {  	_ =	swait.ge @!p0 [sflag:s0], s1  }
0x91: {  	s1 =	ssub.s32 @!p0 $0x0, s1;
	[sflag:s0] =	ssyncset.done @!p0 $0x0  }
0x92: {  	[sflag:s0] =	ssyncadd.s32 @!p0 s1  }
0x93: {  	[bflag:$0x3] =	sbarrier.arrive $0xFFFF  }
0x94: {  	_ =	shalt  }

// kernel: kernel.9.cloned.1.call-start
scs
__scs_entry_jumppad:
0x0: {  	(pc) =	sbr.rel $0x88, $3  }
0x1: {  	(tag) =	ssettag $0x0;
	lr =	simm.s32 $0x1  }
0x2: {  	[smem:$0x3F9B] =	sst lr;
	_ =	strace $0xD0000000  }
0x3: {  	_ = 	snop  }
0x4: {  	_ = 	snop  }
0x5: {  	_ = 	snop  }
0x6: {  	_ = 	snop  }
0x7: {  	_ = 	snop  }
__scs_overlays_trampoline_lowered:
0x8: {  	[smem:$0x3FAA] =	sst s0  }
0x9: {  	[smem:$0x3FAB] =	sst s1  }
0xa: {  	[smem:$0x3FAC] =	sst s2  }
0xb: {  	[smem:$0x3FAD] =	sst s3  }
0xc: {  	[smem:$0x3FAE] =	sst s4  }
0xd: {  	[smem:$0x3FAF] =	sst s5  }
0xe: {  	[smem:$0x3FB0] =	sst s6  }
0xf: {  	[smem:$0x3FB1] =	sst s7  }
0x10: {  	[smem:$0x3FB2] =	sst s8  }
0x11: {  	[smem:$0x3FB3] =	sst s9;
	s0 =	simm.s32 @!p0 $0x0  }
0x12: {  	s1 =	sld [smem:$0x3F99];
	s0 =	simm.s32 @p0 $0x1  }
0x13: {  	[smem:$0x3FB4] =	sst s0;
	s0 =	simm.s32 @!p1 $0x0  }
0x14: {  	s2 =	sld [smem:$0x3F98];
	s0 =	simm.s32 @p1 $0x1  }
0x15: {  	[smem:$0x3FB5] =	sst s0;
	s0 =	simm.s32 @!p2 $0x0  }
0x16: {  	s3 =	sld [smem:$0x3FDB];
	s0 =	simm.s32 @p2 $0x1  }
0x17: {  	s4 =	simm.s32 $0x1BF5;
	[smem:$0x3FB7] =	sst s0  }
0x18: {  	s0 =	sld [smem:$0x3F9A];
	_ =	swait.ge [sflag:s4], $0x0  }
0x19: {  	s7 =	sld [smem:$0x3F9B]  }
0x1a: {  	s8 =	sadd.s32 $0xFFFFE003, lr  }
0x1b: {  	s9 =	sadd.s32 $0xFFFFFEF7, lr;
	s5 =	simm.s32 $0xFFFFFFFF;
	p2 =	slt.u32 s8, $0xFFFFF086  }
0x1c: {  	p1 =	slt.u32 s9, $0xF7A;
	s5 =	simm.s32 @!p2 $0x0  }
0x1d: {  	s5 =	simm.s32 @p1 $0x1;
	p0 =	seq.s32 s7, s2  }
0x1e: {  	s7 =	smul.u32 @!p0 $0xF7A, s2;
	p2 =	seq.s32 @!p0 s5, $0x0  }
0x1f: {  	s9 =	smul.u32 $0xF7A, s1;
	s8 =	simm.s32 @!p0 $0x1BF5;
	p2 =	por !p2, p0  }
0x20: {  	[sflag:s8] =	ssyncset.s32 @!p0 $0xFFFFF086;
	s6 =	sadd.s32 @!p0 s3, s7;
	s7 =	simm.s32 @!p0 $0x108  }
0x21: {  	s3 =	sadd.s32 s3, s9;
	s6 =	sadd.s32 @!p0 $0x88, s6;
	s7 =	simm.s32 @p2 $0x1082  }
0x22: {  	[simem:s7], [sflag:s8] =	dma.local @!p0 [hbm:s6], $0xF7A  }
0x23: {  	s9 =	sor.u32 $0xD0000000, s2;
	s6 =	simm.s32 $0x108;
	_ =	swait.ge @!p0 [sflag:s8], $0x0  }
0x24: {  	s3 =	sadd.s32 $0x88, s3;
	s6 =	simm.s32 @!p1 $0x1082;
	[sflag:s4] =	ssyncset.s32 $0xFFFFF086  }
0x25: {  	[simem:s6], [sflag:s4] =	dma.local [hbm:s3], $0xF7A  }
0x26: {  	[smem:$0x3F9B] =	sst s1;
	(tag) =	ssettag s2;
	_ =	strace s9  }
0x27: {  	s1 =	sld [smem:$0x3FAB]  }
0x28: {  	s2 =	sld [smem:$0x3FAC]  }
0x29: {  	s4 =	sld [smem:$0x3FAE]  }
0x2a: {  	p0 =	seq.s32 s5, $0x0;
	s5 =	sld [smem:$0x3FAF]  }
0x2b: {  	s6 =	sld [smem:$0x3FB0]  }
0x2c: {  	s7 =	sld [smem:$0x3FB1]  }
0x2d: {  	s3 =	simm.s32 $0x108;
	s8 =	sld [smem:$0x3FB2]  }
0x2e: {  	s3 =	simm.s32 @!p0 $0x1082;
	s9 =	sld [smem:$0x3FB3]  }
0x2f: {  	lr =	sadd.s32 s0, s3;
	s0 =	sld [smem:$0x3FAA]  }
0x30: {  	s3 =	sld [smem:$0x3FAD]  }
0x31: {  	[smem:$0x3FB6] =	sst s10  }
0x32: {  	s10 =	sld [smem:$0x3FB4];
	_ =	sdelay $0x3  }
0x33: {  	p0 =	seq.s32 s10, $0x1;
	s10 =	sld [smem:$0x3FB6];
	_ =	sdelay $0x3  }
0x34: {  	[smem:$0x3FB6] =	sst s10  }
0x35: {  	s10 =	sld [smem:$0x3FB5];
	_ =	sdelay $0x3  }
0x36: {  	p1 =	seq.s32 s10, $0x1;
	s10 =	sld [smem:$0x3FB6];
	_ =	sdelay $0x3  }
0x37: {  	[smem:$0x3FB6] =	sst s10  }
0x38: {  	s10 =	sld [smem:$0x3FB7]  }
0x39: {  	_ = 	snop;
	(pc) =	sbr.ind lr, $3  }
0x3a: {  	_ = 	snop  }
0x3b: {  	_ = 	snop  }
0x3c: {  	p2 =	seq.s32 s10, $0x1;
	s10 =	sld [smem:$0x3FB6]  }
0x3d: {  	_ =	shalt  }
0x3e: {  	_ =	shalt  }
0x3f: {  	_ =	shalt  }
0x40: {  	_ =	shalt  }
0x41: {  	_ =	shalt  }
0x42: {  	_ =	shalt  }
0x43: {  	_ =	shalt  }
0x44: {  	_ =	shalt  }
0x45: {  	_ =	shalt  }
0x46: {  	_ =	shalt  }
0x47: {  	_ =	shalt  }
0x48: {  	_ =	shalt  }
0x49: {  	_ =	shalt  }
0x4a: {  	_ =	shalt  }
0x4b: {  	_ =	shalt  }
0x4c: {  	_ =	shalt  }
0x4d: {  	_ =	shalt  }
0x4e: {  	_ =	shalt  }
0x4f: {  	_ =	shalt  }
0x50: {  	_ =	shalt  }
0x51: {  	_ =	shalt  }
0x52: {  	_ =	shalt  }
0x53: {  	_ =	shalt  }
0x54: {  	_ =	shalt  }
0x55: {  	_ =	shalt  }
0x56: {  	_ =	shalt  }
0x57: {  	_ =	shalt  }
0x58: {  	_ =	shalt  }
0x59: {  	_ =	shalt  }
0x5a: {  	_ =	shalt  }
0x5b: {  	_ =	shalt  }
0x5c: {  	_ =	shalt  }
0x5d: {  	_ =	shalt  }
0x5e: {  	_ =	shalt  }
0x5f: {  	_ =	shalt  }
0x60: {  	_ =	shalt  }
0x61: {  	_ =	shalt  }
0x62: {  	_ =	shalt  }
0x63: {  	_ =	shalt  }
0x64: {  	_ =	shalt  }
0x65: {  	_ =	shalt  }
0x66: {  	_ =	shalt  }
0x67: {  	_ =	shalt  }
0x68: {  	_ =	shalt  }
0x69: {  	_ =	shalt  }
0x6a: {  	_ =	shalt  }
0x6b: {  	_ =	shalt  }
0x6c: {  	_ =	shalt  }
0x6d: {  	_ =	shalt  }
0x6e: {  	_ =	shalt  }
0x6f: {  	_ =	shalt  }
0x70: {  	_ =	shalt  }
0x71: {  	_ =	shalt  }
0x72: {  	_ =	shalt  }
0x73: {  	_ =	shalt  }
0x74: {  	_ =	shalt  }
0x75: {  	_ =	shalt  }
0x76: {  	_ =	shalt  }
0x77: {  	_ =	shalt  }
0x78: {  	_ =	shalt  }
0x79: {  	_ =	shalt  }
0x7a: {  	_ =	shalt  }
0x7b: {  	_ =	shalt  }
0x7c: {  	_ =	shalt  }
0x7d: {  	_ =	shalt  }
0x7e: {  	_ =	shalt  }
0x7f: {  	_ =	shalt  }
0x80: {  	_ =	shalt  }
0x81: {  	_ =	shalt  }
0x82: {  	_ =	shalt  }
0x83: {  	_ =	shalt  }
0x84: {  	_ =	shalt  }
0x85: {  	_ =	shalt  }
0x86: {  	_ =	shalt  }
0x87: {  	_ =	shalt  }
.Lfunc_end0:
.L_simem_size_0:
called_computation_lowered:
.L_overlay_start_0:
0x88: {  	s2 =	sld [smem:$0x3FD9]  }
0x89: {  	s3 =	sld [smem:$0x3FFE];
	_ =	sdelay $0x1  }
0x8a: {  	s1 =	srdreg.scid  }
0x8b: {  	s0 =	sand.u32 $0x1, s1  }
0x8c: {  	s17 =	sshll.u32 s0, $0xA;
	s2 =	sadd.s32 s3, s2  }
0x8d: {  	s2 =	sadd.s32 s2, s17  }
0x8e: {  	[smem:$0x3FC2] =	sst s2  }
0x8f: {  	_ = 	snop  }
0x90: {  	s2 =	sld [smem:$0x3FC6]  }
0x91: {  	s18 =	sld [smem:$0x3FD0];
	(tm) =	ssettm $0x1  }
0x92: {  	s4 =	sld [smem:$0x3FFB];
	_ =	sdelay $0x3  }
0x93: {  	_ =	strace s4  }
0x94: {  	s4 =	sld [smem:$0x3FFC];
	_ =	sdelay $0x3  }
0x95: {  	_ =	strace s4  }
0x96: {  	s4 =	sld [smem:$0x3FFD];
	_ =	sdelay $0x3  }
0x97: {  	_ =	strace s4  }
0x98: {  	_ =	strace $0x8FFFFFFF  }
0x99: {  	s19 =	sld [smem:$0x3FDB];
	_ =	sdelay $0x1  }
0x9a: {  	s5 =	simm.s32 $_scs_section_size  }
0x9b: {  	s6 =	simm.s32 $_size__tile_overlayer_lowered;
	s7 =	simm.s32 $_tile_overlayer_lowered  }
0x9c: {  	s22 =	simm.s32 $0x1BFF;
	s21 =	sshll.u32 s7, $0x1;
	s4 =	sadd.s32 s5, s19  }
0x9d: {  	s8 =	simm.s32 $0x0;
	s20 =	sshll.u32 s6, $0x1;
	s6 =	sadd.s32 s21, s4  }
0x9e: {  	[timem:s8], [sflag:s22] =	dma.local [hbm:s6], s20  }
0x9f: {  	_ =	swait.ge [sflag:s22], s20  }
0xa0: {  	s5 =	ssub.s32 $0x0, s20;
	[sflag:s22] =	ssyncset.done $0x0  }
0xa1: {  	[sflag:s22] =	ssyncadd.s32 s5;
	_ =	sdelay $0x1  }
0xa2: {  	s23 =	simm.s32 $0x1B8B  }
0xa3: {  	_ =	swait.ge [sflag:s23], $0x1  }
0xa4: {  	[sflag:s23] =	ssyncset.done $0x0  }
0xa5: {  	s25 =	simm.s32 $0x1B8E;
	s24 =	sld [smem:$0x3FFE];
	[sflag:s23] =	ssyncadd.s32 $0xFFFFFFFF  }
0xa6: {  	s26 =	simm.s32 $execute0_lowered;
	[smem:$0x3FD2] =	sst s25  }
0xa7: {  	s6 =	sshll.u32 s26, $0x1;
	_ =	strace $0x80000046;
	[dreg:$0x1] =	wrdreg $0xFFFFFFFF  }
0xa8: {  	s28 =	simm.s32 $_size_execute0_lowered;
	s4 =	sadd.s32 s4, s6;
	[dreg:$0x0] =	wrdreg $0x0  }
0xa9: {  	s6 =	sshll.u32 s28, $0x1;
	[dreg:$0x2] =	wrdreg s4  }
0xaa: {  	[dreg:$0x3] =	wrdreg s6  }
0xab: {  	[dreg:$0x4] =	wrdreg $0xC0  }
0xac: {  	_ =	task [dreg:s8], $0x5FFFF  }
0xad: {  	[dreg:$0x1] =	wrdreg $0xFFFFFFFF  }
0xae: {  	[dreg:$0x0] =	wrdreg $0x60  }
0xaf: {  	[dreg:$0x2] =	wrdreg s2  }
0xb0: {  	[dreg:$0x3] =	wrdreg s24  }
0xb1: {  	[dreg:$0x4] =	wrdreg s18  }
0xb2: {  	[dreg:$0x5] =	wrdreg $0x9  }
0xb3: {  	_ =	task.clear_ibuf [dreg:s8], $0x6FFFF;
	_ =	strace $0x90000046  }
0xb4: {  	s29 =	simm.s32 $0x9;
	_ =	strace $0x80000048  }
0xb5: {  	_ =	swait.ge [sflag:s29], $0x1  }
0xb6: {  	[sflag:s29] =	ssyncadd.s32 $0xFFFFFFFF  }
0xb7: {  	_ =	strace $0x90000048  }
0xb8: {  	_ =	sfence  }
0xb9: {  	s30 =	sld [smem:$0x0];
	_ =	sdelay $0x2  }
0xba: {  	s31 =	sshll.u32 s1, $0xD;
	s1 =	sshrl.u32 s1, $0x2  }
0xbb: {  	s3 =	sand.u32 $0x4000, s31;
	s1 =	sadd.s32 s1, s30  }
0xbc: {  	s0 =	sor.u32 s3, s0;
	s1 =	sshll.u32 s1, $0x11  }
0xbd: {  	s0 =	sor.u32 s1, s0  }
0xbe: {  	s0 =	sadd.s32 $0x8F2B, s0  }
0xbf: {  	[sflag:s0] =	ssyncadd.remote.s32 $0x1  }
0xc0: {  	_ =	sfence.sel $0xFFFF  }
0xc1: {  	[dreg:$0x0] =	wrdreg $0xFFFFFFFF;
	(pc) =	sbr.abs _section_cstart, $3  }
0xc2: {  	[dreg:$0x1] =	wrdreg $0xFFFFFFFF  }
0xc3: {  	_ =	task.clear_ibuf [dreg:s8], $0x2FFFF;
	_ =	strace $0x9FFFFFFF  }
0xc4: {  	(tm) =	ssettm $0x7FFFFFFF  }
0xc5: {  	_ =	shalt  }
tec
execute0_lowered:
.L_overlay_start_1:
0x0: {  	(tag) =	ssettag $0x1  }
0x1: {  	s2 =	rddreg [dreg:$0x0]  }
0x2: {  	s4 =	rddreg [dreg:$0x1]  }
0x3: {  	s6 =	rddreg [dreg:$0x2]  }
0x4: {  	s3 =	srdreg.scid;
	s1 =	stileid.u32  }
0x5: {  	s0 =	rddreg [dreg:$0x3];
	s12 =	simm.s32 $0x80;
	s13 =	simm.s32 $0x400  }
0x6: {  	s14 =	simm.s32 $0x4200;
	s15 =	simm.s32 $0x200;
	s16 =	simm.s32 $0x1  }
0x7: {  	s17 =	simm.s32 $0x100;
	s18 =	simm.s32 $0x6980;
	s5 =	sand.u32 $0x1, s3  }
0x8: {  	s7 =	sshll.u32 s1, $0x1;
	s3 =	simm.s32 $0x0;
	s8 =	sshrl.u32 s1, $0x2  }
0x9: {  	s7 =	sor.u32 s5, s7;
	[smem:$0x7FF] =	sst s3;
	s10 =	smul.u32 $0x13C00, s8  }
0xa: {  	s8 =	smul.u32 $0x14000, s8;
	s5 =	ssub.s32 $0x2, s5;
	s9 =	sshll.u32 s7, $0x7  }
0xb: {  	s11 =	sshll.u32 s7, $0x6;
	_ =	strace $0x80000047;
	s31 =	sshrl.u32 s5, $0x1  }
0xc: {  	s7 =	smul.u32 $0x1800, s7;
	s9 =	sand.u32 $0x380, s9;
	s11 =	sadd.s32 s11, s4  }
0xd: {  	s10 =	sor.u32 s10, s9;
	s8 =	sor.u32 s8, s9;
	s9 =	ssub.s32 s5, s31  }
0xe: {  	s6 =	sadd.s32 s6, s7;
	s10 =	sshrl.u32 s10, $0x3;
	s8 =	sshrl.u32 s8, $0x3  }
0xf: {  	s10 =	sadd.s32 s10, s4;
	s8 =	sadd.s32 s8, s4;
	s4 =	sadd.s32 $0x1E00, s11  }
0x10: {  	s11 =	simm.s32 $0x2;
	s5 =	sadd.s32 $0x2600, s10;
	s7 =	sadd.s32 $0xC400, s8  }
0x11: {  	v0 =	vimm.f32 $0.0e+00;
	v1 =	vimm.f32 $1.000000000e+00;
	s8 =	smax.u32 s9, $0x1;
	s9 =	sadd.s32 $0x800, s6;
	s10 =	sadd.s32 $0x1000, s6  }
.LBB2_1:
0x12: {  	s19 =	simm.s32 $0x40;
	s20 =	simm.s32 $0x0  }
.LBB2_2:
0x13: {  	p0 =	sne.s32 s19, $0x9FC0;
	[tilespmem:s20+$0x6980] =	vst v0;
	s20 =	smov.u32 s19;
	s19 =	sadd.s32 $0x40, s19  }
.Ltmp0:
0x14: {  	(pc) =	sbr.rel @p0 .LBB2_2-.Ltmp0, $2  }
0x15: {  	_ =	sdelay $0x2  }
0x16: {  	s20 =	sshra.s32 s20, $0x2  }
0x17: {  	[tilespmem:s20+$0x6980] =	vst v0;
	s19 =	simm.s32 $0x0  }
0x18: {  	[tilespmem:s19], [sflag:$0x2] =	stream.linear.gather [hbm4b:s4+s19], $0x180, $0x38;
	[tilespmem:$0x9180] =	vst v63  }
0x19: {  	_ =	swait.ge [sflag:s11], $0x180  }
0x1a: {  	[sflag:s11] =	ssyncset.done $0x0  }
0x1b: {  	[sflag:s11] =	ssyncadd.s32 $0xFFFFFE80  }
0x1c: {  	[tilespmem:s14], [sflag:$0x2] =	stream.strided.gather [hbm4b:s5+s12], $0x2780, s13, s12, $0x38;
	[tilespmem:$0x9180] =	vst v63  }
0x1d: {  	_ =	swait.ge [sflag:s11], $0x2780  }
0x1e: {  	[sflag:s11] =	ssyncset.done $0x0  }
0x1f: {  	[sflag:s11] =	ssyncadd.s32 $0xFFFFD880  }
0x20: {  	[tilespmem:s15], [sflag:$0x1] =	stream.indirect.gather [hbm4b:s2+s12], $0x80, s19, s12, $0xb8;
	[tilespmem:$0x9180] =	vst v63  }
0x21: {  	_ =	swait.ge [sflag:s16], $0x4000  }
0x22: {  	[sflag:s16] =	ssyncset.done $0x0  }
0x23: {  	[sflag:s16] =	ssyncadd.s32 $0xFFFFC000  }
0x24: {  	[hbm4b:s6+s19] =	stream.linear.scatter [tilespmem:s15], [sflag:$0x2], $0x4000, $0x38;
	[tilespmem:$0x9180] =	vst v63  }
0x25: {  	_ =	swait.ge [sflag:s11], $0x4000  }
0x26: {  	[sflag:s11] =	ssyncset.done $0x0  }
0x27: {  	[sflag:s11] =	ssyncadd.s32 $0xFFFFC000  }
0x28: {  	[tilespmem:s15], [sflag:$0x1] =	stream.indirect.gather [hbm4b:s2+s12], $0x80, s12, s12, $0xb8;
	[tilespmem:$0x9180] =	vst v63  }
0x29: {  	_ =	swait.ge [sflag:s16], $0x4000  }
0x2a: {  	[sflag:s16] =	ssyncset.done $0x0  }
0x2b: {  	[sflag:s16] =	ssyncadd.s32 $0xFFFFC000  }
0x2c: {  	[hbm4b:s9+s19] =	stream.linear.scatter [tilespmem:s15], [sflag:$0x2], $0x4000, $0x38;
	[tilespmem:$0x9180] =	vst v63  }
0x2d: {  	_ =	swait.ge [sflag:s11], $0x4000  }
0x2e: {  	[sflag:s11] =	ssyncset.done $0x0  }
0x2f: {  	[sflag:s11] =	ssyncadd.s32 $0xFFFFC000  }
0x30: {  	[tilespmem:s15], [sflag:$0x1] =	stream.indirect.gather [hbm4b:s2+s12], $0x80, s17, s12, $0xb8;
	[tilespmem:$0x9180] =	vst v63  }
0x31: {  	_ =	swait.ge [sflag:s16], $0x4000  }
0x32: {  	[sflag:s16] =	ssyncset.done $0x0  }
0x33: {  	[sflag:s16] =	ssyncadd.s32 $0xFFFFC000  }
0x34: {  	[hbm4b:s10+s19] =	stream.linear.scatter [tilespmem:s15], [sflag:$0x2], $0x4000, $0x38;
	[tilespmem:$0x9180] =	vst v63  }
0x35: {  	_ =	swait.ge [sflag:s11], $0x4000  }
0x36: {  	[sflag:s11] =	ssyncset.done $0x0  }
0x37: {  	s20 =	simm.s32 $0x0;
	s19 =	simm.s32 $0x40;
	[sflag:s11] =	ssyncadd.s32 $0xFFFFC000  }
.LBB2_4:
0x38: {  	p0 =	sne.s32 s19, $0x9C00;
	v2 =	vld [tilespmem:s20+$0x4200];
	_ =	sdelay $0x3  }
.Ltmp1:
0x39: {  	(pc) =	sbr.rel @p0 .LBB2_4-.Ltmp1, $2  }
0x3a: {  	_ =	sdelay $0x2  }
0x3b: {  	s20 =	sshra.s32 s19, $0x2;
	s19 =	sadd.s32 $0x40, s19;
	[tilespmem:v2+s18+$0x0] =	vst.idx.add.f32.msk $0xffff, v1  }
0x3c: {  	v2 =	vld [tilespmem:s20+$0x4200];
	_ =	sdelay $0x5  }
0x3d: {  	s3 =	sadd.s32 $0x1, s3  }
0x3e: {  	p0 =	sne.s32 s3, s8  }
.Ltmp2:
0x3f: {  	[tilespmem:v2+s18+$0x0] =	vst.idx.add.f32.msk $0xffff, v1;
	(pc) =	sbr.rel @p0 .LBB2_1-.Ltmp2, $4  }
0x40: {  	[hbm4b:s7+s12] =	stream.strided.scatter [tilespmem:s18], [sflag:$0x2], $0x2800, s13, s12, $0x38;
	[tilespmem:$0x9180] =	vst v63  }
0x41: {  	_ =	swait.ge [sflag:s11], $0x2800  }
0x42: {  	[sflag:s11] =	ssyncset.done $0x0  }
0x43: {  	[sflag:s11] =	ssyncadd.s32 $0xFFFFD800  }
0x44: {  	_ =	sfence.sel $0x180000  }
0x45: {  	[bflag:$0x0] =	sbarrier.arrive $0xFFFF  }
0x46: {  	p0 =	sne.s32 s1, $0x0;
	_ =	strace $0x90000047  }
0x47: {  	s0 =	sadd.s32 @!p0 $0x100000, s0;
	[bflag:$0x2] =	sbarrier.arrive $0xFFFF  }
0x48: {  	[sflag:s0] =	ssyncadd.tile.s32 @!p0 $0x1;
	_ =	shalt  }
.Lfunc_end2:
_tile_overlayer_lowered:
.L_overlay_start_2:
0x49: {  	(tag) =	ssettag $0x2  }
0x4a: {  	s0 =	rddreg [dreg:$0x0];
	s2 =	stileid.u32  }
0x4b: {  	s1 =	rddreg [dreg:$0x1];
	p0 =	sne.s32 s2, $0x0  }
0x4c: {  	s3 =	rddreg [dreg:$0x2];
	[bflag:$0x3] =	sbarrier.arrive $0xFFFF;
	s2 =	simm.s32 @!p0 $0x1C02  }
0x4d: {  	[timem:s3], [sflag:s2] =	dma.local @!p0 [hbm:s0], s1  }
0x4e: {  	s0 =	simm.s32 @!p0 $0x2  }
0x4f: {  	_ =	swait.ge @!p0 [sflag:s0], s1  }
0x50: {  	s1 =	ssub.s32 @!p0 $0x0, s1;
	[sflag:s0] =	ssyncset.done @!p0 $0x0  }
0x51: {  	[sflag:s0] =	ssyncadd.s32 @!p0 s1  }
0x52: {  	[bflag:$0x3] =	sbarrier.arrive $0xFFFF  }
0x53: {  	_ =	shalt  }

</sc_bundles>
